<compile_context>
chip_gen: v7x
topology: tpu7x:2x2x1
jax: 0.10.2.dev20260603
libtpu: 0.0.44.dev20260713+nightly
codegen_flags: <defaults>
</compile_context>

<pallas_src>
import functools

import jax
import jax.numpy as jnp
from jax import lax
from jax.experimental import pallas as pl
from jax.experimental.pallas import tpu as pltpu
from jax.experimental.pallas import tpu_sc as plsc

N = 10000
E = 320000
MEM = 128
INJ = 0.1

NC = 2
NS = 16
NW = NC * NS
EPT = E // NW
CH = 40
NCHUNK = EPT // CH
RZB = 624
RTAIL = N - NS * RZB

_f32 = jnp.float32



def _node_proj_body(x_ref, win_ref, bin_ref, a_ref, b_ref,
                    mem_ref, ps_ref, pd_ref):
    x = x_ref[...]
    m = jnp.tanh(jnp.dot(x, win_ref[...], preferred_element_type=_f32)
                 + bin_ref[...])
    mem_ref[...] = m
    ps_ref[...] = jnp.dot(m, a_ref[...], preferred_element_type=_f32)
    pd_ref[...] = jnp.dot(m, b_ref[...], preferred_element_type=_f32)


def _edge_term_body(z_ref, c_ref, bm1_ref, ez_ref):
    ez_ref[...] = (jnp.dot(z_ref[...], c_ref[...], preferred_element_type=_f32)
                   + bm1_ref[...])


def _finalize_body(p0_ref, p1_ref, c0_ref, c1_ref, mem_ref,
                   wm2_ref, bm2_ref, wmm_ref, bmm_ref,
                   wzt_ref, wzb_ref, bz_ref,
                   wrt_ref, wrb_ref, br_ref,
                   wht_ref, whb_ref, bh_ref,
                   wout_ref, bout_ref, out_ref):
    s = p0_ref[...] + p1_ref[...]
    cnt = c0_ref[...][:, 0:1] + c1_ref[...][:, 0:1]
    agg = (jnp.dot(s, wm2_ref[...], preferred_element_type=_f32)
           + cnt * bm2_ref[...]) / jnp.maximum(cnt, 1.0)
    am = jnp.dot(agg, wmm_ref[...], preferred_element_type=_f32) + bmm_ref[...]
    m = mem_ref[...]
    z = jax.nn.sigmoid(jnp.dot(am, wzt_ref[...], preferred_element_type=_f32)
                       + jnp.dot(m, wzb_ref[...], preferred_element_type=_f32)
                       + bz_ref[...])
    r = jax.nn.sigmoid(jnp.dot(am, wrt_ref[...], preferred_element_type=_f32)
                       + jnp.dot(m, wrb_ref[...], preferred_element_type=_f32)
                       + br_ref[...])
    ht = jnp.tanh(jnp.dot(am, wht_ref[...], preferred_element_type=_f32)
                  + jnp.dot(r * m, whb_ref[...], preferred_element_type=_f32)
                  + bh_ref[...])
    mn = (1.0 - z) * m + z * ht + INJ * m
    out_ref[...] = jnp.maximum(
        jnp.dot(mn, wout_ref[...], preferred_element_type=_f32)
        + bout_ref[...], 0.0)


def _rep(shape):
    return pl.BlockSpec(shape, lambda i: (0, 0))


_NODE_BLK = 1000
_node_proj = pl.pallas_call(
    _node_proj_body,
    grid=(N // _NODE_BLK,),
    in_specs=[
        pl.BlockSpec((_NODE_BLK, MEM), lambda i: (i, 0)),
        _rep((MEM, MEM)), _rep((1, MEM)), _rep((MEM, MEM)), _rep((MEM, MEM)),
    ],
    out_specs=[pl.BlockSpec((_NODE_BLK, MEM), lambda i: (i, 0))] * 3,
    out_shape=[jax.ShapeDtypeStruct((N, MEM), _f32)] * 3,
)

_EDGE_BLK = 4000
_edge_term = pl.pallas_call(
    _edge_term_body,
    grid=(E // _EDGE_BLK,),
    in_specs=[
        pl.BlockSpec((_EDGE_BLK, 16), lambda i: (i, 0)),
        _rep((16, MEM)), _rep((1, MEM)),
    ],
    out_specs=pl.BlockSpec((_EDGE_BLK, MEM), lambda i: (i, 0)),
    out_shape=jax.ShapeDtypeStruct((E, MEM), _f32),
)

_finalize = pl.pallas_call(
    _finalize_body,
    grid=(N // _NODE_BLK,),
    in_specs=[
        pl.BlockSpec((_NODE_BLK, MEM), lambda i: (i, 0)),
        pl.BlockSpec((_NODE_BLK, MEM), lambda i: (i, 0)),
        pl.BlockSpec((_NODE_BLK, MEM), lambda i: (i, 0)),
        pl.BlockSpec((_NODE_BLK, MEM), lambda i: (i, 0)),
        pl.BlockSpec((_NODE_BLK, MEM), lambda i: (i, 0)),
        _rep((MEM, MEM)), _rep((1, MEM)),
        _rep((MEM, MEM)), _rep((1, MEM)),
        _rep((MEM, MEM)), _rep((MEM, MEM)), _rep((1, MEM)),
        _rep((MEM, MEM)), _rep((MEM, MEM)), _rep((1, MEM)),
        _rep((MEM, MEM)), _rep((MEM, MEM)), _rep((1, MEM)),
        _rep((MEM, MEM)), _rep((1, MEM)),
    ],
    out_specs=pl.BlockSpec((_NODE_BLK, MEM), lambda i: (i, 0)),
    out_shape=jax.ShapeDtypeStruct((N, MEM), _f32),
)



def _edge_agg_body(ps_hbm, pd_hbm, ez_hbm, src_hbm, dst_hbm,
                   z128_hbm, ones_hbm,
                   out_hbm, cnt_hbm,
                   acc_sh, srcv0, srcv1, dstv0, dstv1, dsts0, dsts1,
                   rowsa0, rowsa1, rowsb0, rowsb1, rowse0, rowse1,
                   sem_a0, sem_a1, sem_b0, sem_b1, sem_e0, sem_e1,
                   sem_i0, sem_i1, sem_s0, sem_s1):
    cid = lax.axis_index("c")
    sid = lax.axis_index("s")
    wid = cid * NS + sid
    r0 = sid * RZB
    t0 = NS * RZB
    e_base = wid * EPT
    srcv = (srcv0, srcv1)
    dstv = (dstv0, dstv1)
    dsts = (dsts0, dsts1)
    rowsa = (rowsa0, rowsa1)
    rowsb = (rowsb0, rowsb1)
    rowse = (rowse0, rowse1)
    sem_a = (sem_a0, sem_a1)
    sem_b = (sem_b0, sem_b1)
    sem_e = (sem_e0, sem_e1)
    sem_i = (sem_i0, sem_i1)
    sem_s = (sem_s0, sem_s1)

    def zero_acc():
        pltpu.sync_copy(z128_hbm.at[pl.ds(r0, RZB)],
                        acc_sh.at[pl.ds(r0, RZB)])

        @pl.when(sid == NS - 1)
        def _():
            pltpu.sync_copy(z128_hbm.at[pl.ds(t0, RTAIL)],
                            acc_sh.at[pl.ds(t0, RTAIL)])

    def write_acc(dst3d):
        pltpu.sync_copy(acc_sh.at[pl.ds(r0, RZB)],
                        dst3d.at[cid, pl.ds(r0, RZB)])

        @pl.when(sid == NS - 1)
        def _():
            pltpu.sync_copy(acc_sh.at[pl.ds(t0, RTAIL)],
                            dst3d.at[cid, pl.ds(t0, RTAIL)])

    def idx_copy_async(t, p):
        e0 = e_base + t * CH
        pltpu.async_copy(src_hbm.at[pl.ds(e0, CH)], srcv[p], sem_i[p])
        return pltpu.async_copy(dst_hbm.at[pl.ds(e0, CH)], dstv[p], sem_i[p])

    def gathers_async(t, p):
        e0 = e_base + t * CH
        pltpu.async_copy(ps_hbm.at[srcv[p]], rowsa[p], sem_a[p])
        pltpu.async_copy(pd_hbm.at[dstv[p]], rowsb[p], sem_b[p])
        return pltpu.async_copy(ez_hbm.at[pl.ds(e0, CH)], rowse[p], sem_e[p])

    zero_acc()
    plsc.subcore_barrier()

    idx_copy_async(0, 0)
    pltpu.make_async_copy(src_hbm.at[pl.ds(0, CH)], srcv[0], sem_i[0]).wait()
    pltpu.make_async_copy(dst_hbm.at[pl.ds(0, CH)], dstv[0], sem_i[0]).wait()
    idx_copy_async(1, 1)
    gathers_async(0, 0)

    def chunk(i, carry):
        for b in (0, 1):
            t = 2 * i + b

            pltpu.make_async_copy(ez_hbm.at[pl.ds(0, CH)], rowsa[b],
                                  sem_a[b]).wait()
            pltpu.make_async_copy(ez_hbm.at[pl.ds(0, CH)], rowsb[b],
                                  sem_b[b]).wait()
            pltpu.make_async_copy(ez_hbm.at[pl.ds(0, CH)], rowse[b],
                                  sem_e[b]).wait()

            @pl.when((t >= 1) & (t + 1 < NCHUNK))
            def _():
                pltpu.make_async_copy(rowse[1 - b],
                                      acc_sh.at[dsts[1 - b]],
                                      sem_s[1 - b]).wait()

            @pl.when(t + 1 < NCHUNK)
            def _():
                pltpu.make_async_copy(src_hbm.at[pl.ds(0, CH)],
                                      srcv[1 - b], sem_i[1 - b]).wait()
                pltpu.make_async_copy(dst_hbm.at[pl.ds(0, CH)],
                                      dstv[1 - b], sem_i[1 - b]).wait()
                gathers_async(t + 1, 1 - b)

            def row(rr, c2):
                for cc in range(MEM // 16):
                    sl = pl.ds(cc * 16, 16)
                    v = rowsa[b][rr, sl] + rowsb[b][rr, sl] + rowse[b][rr, sl]
                    rowse[b][rr, sl] = jnp.maximum(v, 0.0)
                return c2

            lax.fori_loop(0, CH, row, 0)
            dsts[b][pl.ds(0, 16)] = dstv[b][pl.ds(0, 16)]
            dsts[b][pl.ds(16, 16)] = dstv[b][pl.ds(16, 16)]
            dsts[b][pl.ds(CH - 16, 16)] = dstv[b][pl.ds(CH - 16, 16)]
            pltpu.async_copy(rowse[b], acc_sh.at[dsts[b]], sem_s[b],
                             add=True)

            @pl.when(t + 2 < NCHUNK)
            def _():
                idx_copy_async(t + 2, b)

        return carry

    lax.fori_loop(0, NCHUNK // 2, chunk, 0)
    pltpu.make_async_copy(rowse[0], acc_sh.at[dsts[0]], sem_s[0]).wait()
    pltpu.make_async_copy(rowse[1], acc_sh.at[dsts[1]], sem_s[1]).wait()
    plsc.subcore_barrier()
    write_acc(out_hbm)
    plsc.subcore_barrier()

    zero_acc()
    pltpu.sync_copy(ones_hbm, rowse[0])
    plsc.subcore_barrier()

    def dst_copy_async(t, p):
        e0 = e_base + t * CH
        return pltpu.async_copy(dst_hbm.at[pl.ds(e0, CH)], dstv[p], sem_i[p])

    dst_copy_async(0, 0).wait()
    dst_copy_async(1, 1)

    def cchunk(i, carry):
        for b in (0, 1):
            t = 2 * i + b

            @pl.when(t >= 2)
            def _():
                pltpu.make_async_copy(rowse[0], acc_sh.at[dsts[b]],
                                      sem_s[b]).wait()

            dsts[b][pl.ds(0, 16)] = dstv[b][pl.ds(0, 16)]
            dsts[b][pl.ds(16, 16)] = dstv[b][pl.ds(16, 16)]
            dsts[b][pl.ds(CH - 16, 16)] = dstv[b][pl.ds(CH - 16, 16)]
            pltpu.async_copy(rowse[0], acc_sh.at[dsts[b]], sem_s[b],
                             add=True)

            @pl.when(t + 2 < NCHUNK)
            def _():
                dst_copy_async(t + 2, b)

            @pl.when(t + 1 < NCHUNK)
            def _():
                pltpu.make_async_copy(dst_hbm.at[pl.ds(0, CH)],
                                      dstv[1 - b], sem_i[1 - b]).wait()

        return carry

    lax.fori_loop(0, NCHUNK // 2, cchunk, 0)
    pltpu.make_async_copy(rowse[0], acc_sh.at[dsts[0]], sem_s[0]).wait()
    pltpu.make_async_copy(rowse[0], acc_sh.at[dsts[1]], sem_s[1]).wait()
    plsc.subcore_barrier()
    write_acc(cnt_hbm)


@functools.lru_cache(maxsize=1)
def _build_edge_agg():
    return functools.partial(
        pl.kernel,
        out_type=[
            jax.ShapeDtypeStruct((NC, N, MEM), _f32),
            jax.ShapeDtypeStruct((NC, N, MEM), _f32),
        ],
        mesh=plsc.VectorSubcoreMesh(
            core_axis_name="c", subcore_axis_name="s",
            num_cores=NC, num_subcores=NS),
        scratch_types=(
            [pltpu.VMEM_SHARED((N, MEM), _f32)]
            + [pltpu.VMEM((CH,), jnp.int32)] * 6
            + [pltpu.VMEM((CH, MEM), _f32)] * 6
            + [pltpu.SemaphoreType.DMA] * 10
        ),
    )(_edge_agg_body)



def kernel(node_x, edge_index, edge_z, W_in, b_in, Wm1, bm1, Wm2, bm2,
           Wmm, bmm, Wz, bz, Wr, br, Wh, bh, Wout, bout):
    src = edge_index[0].astype(jnp.int32)
    dst = edge_index[1].astype(jnp.int32)
    a_w = Wm1[:MEM]
    b_w = Wm1[MEM:2 * MEM]
    c_w = Wm1[2 * MEM:]

    mem, ps, pd = _node_proj(node_x, W_in, b_in.reshape(1, MEM), a_w, b_w)
    ez = _edge_term(edge_z, c_w, bm1.reshape(1, MEM))

    z128 = jnp.zeros((N, MEM), _f32)
    ones = jnp.ones((CH, MEM), _f32)
    partial, cnt = _build_edge_agg()(ps, pd, ez, src, dst, z128, ones)

    emb = _finalize(
        partial[0], partial[1], cnt[0], cnt[1], mem,
        Wm2, bm2.reshape(1, MEM), Wmm, bmm.reshape(1, MEM),
        Wz[:MEM], Wz[MEM:], bz.reshape(1, MEM),
        Wr[:MEM], Wr[MEM:], br.reshape(1, MEM),
        Wh[:MEM], Wh[MEM:], bh.reshape(1, MEM),
        Wout, bout.reshape(1, MEM))
    return emb

# --- scband reference (transcript-rebuilt; emitter-appended) ---
"""Pipeline reference for scband-tgn-1340029797082 (READ-ONLY COPY).

The authoritative reference and input builder live on the scoring server;
editing this copy changes nothing except your own understanding.
"""

import jax, jax.numpy as jnp
import numpy as np

N = 10000
E = 320000
D_NODE = 128
D_EDGE = 16
MEM = 128
MSG = 128
EMB = 128
INJECT = 0.1


def setup_inputs(seed: int = 0) -> dict:
    key = jax.random.key(seed)
    ks = jax.random.split(key, 16)
    s = 0.05
    node_x = jax.random.normal(ks[0], (N, D_NODE), dtype=jnp.float32)
    edge_index = jax.random.randint(ks[1], (2, E), 0, N)
    edge_z = jax.random.normal(ks[2], (E, D_EDGE), dtype=jnp.float32)
    # MemoryBank init projection
    W_in = jax.random.normal(ks[3], (D_NODE, MEM), dtype=jnp.float32) * s
    b_in = jnp.zeros((MEM,), dtype=jnp.float32)
    # MLPMessage: 2-layer MLP on [mem_src, mem_dst, edge_z]
    Wm1 = jax.random.normal(ks[4], (2 * MEM + D_EDGE, MSG), dtype=jnp.float32) * s
    bm1 = jnp.zeros((MSG,), dtype=jnp.float32)
    Wm2 = jax.random.normal(ks[5], (MSG, MSG), dtype=jnp.float32) * s
    bm2 = jnp.zeros((MSG,), dtype=jnp.float32)
    # msg_to_mem
    Wmm = jax.random.normal(ks[6], (MSG, MEM), dtype=jnp.float32) * s
    bmm = jnp.zeros((MEM,), dtype=jnp.float32)
    # GRU-style memory update gates
    Wz = jax.random.normal(ks[7], (2 * MEM, MEM), dtype=jnp.float32) * s
    bz = jnp.zeros((MEM,), dtype=jnp.float32)
    Wr = jax.random.normal(ks[8], (2 * MEM, MEM), dtype=jnp.float32) * s
    br = jnp.zeros((MEM,), dtype=jnp.float32)
    Wh = jax.random.normal(ks[9], (2 * MEM, MEM), dtype=jnp.float32) * s
    bh = jnp.zeros((MEM,), dtype=jnp.float32)
    # Readout
    Wout = jax.random.normal(ks[10], (MEM, EMB), dtype=jnp.float32) * s
    bout = jnp.zeros((EMB,), dtype=jnp.float32)
    return {
        'node_x': node_x, 'edge_index': edge_index, 'edge_z': edge_z,
        'W_in': W_in, 'b_in': b_in, 'Wm1': Wm1, 'bm1': bm1, 'Wm2': Wm2, 'bm2': bm2,
        'Wmm': Wmm, 'bmm': bmm, 'Wz': Wz, 'bz': bz, 'Wr': Wr, 'br': br,
        'Wh': Wh, 'bh': bh, 'Wout': Wout, 'bout': bout,
    }


def reference(node_x, edge_index, edge_z, W_in, b_in, Wm1, bm1, Wm2, bm2,
              Wmm, bmm, Wz, bz, Wr, br, Wh, bh, Wout, bout):
    # memory.init
    mem = jnp.tanh(node_x @ W_in + b_in)
    src = edge_index[0]
    dst = edge_index[1]
    # gather endpoint memories (SparseCore gather)
    mem_src = jnp.take(mem, src, axis=0)
    mem_dst = jnp.take(mem, dst, axis=0)
    h = jnp.concatenate([mem_src, mem_dst, edge_z], axis=-1)
    msg = jax.nn.relu(h @ Wm1 + bm1) @ Wm2 + bm2
    # mean aggregation over dst (scatter-add / segment_sum)
    n = node_x.shape[0]
    agg = jax.ops.segment_sum(msg, dst, num_segments=n)
    counts = jax.ops.segment_sum(jnp.ones((dst.shape[0], 1), dtype=msg.dtype), dst, num_segments=n)
    agg = agg / jnp.maximum(counts, 1.0)
    agg_mem = agg @ Wmm + bmm
    # memory.update: GRU cell + node-feature injection
    zx = jnp.concatenate([agg_mem, mem], axis=-1)
    z = jax.nn.sigmoid(zx @ Wz + bz)
    r = jax.nn.sigmoid(zx @ Wr + br)
    h_tilde = jnp.tanh(jnp.concatenate([agg_mem, r * mem], axis=-1) @ Wh + bh)
    mem_new = (1.0 - z) * mem + z * h_tilde
    mem_new = mem_new + INJECT * jnp.tanh(node_x @ W_in + b_in)
    # readout (head is identity)
    emb = jax.nn.relu(mem_new @ Wout + bout)
    return emb

if __name__ == "__main__":
    import jax
    _d = setup_inputs()
    print(jax.jit(kernel)(*tuple(_d.values())))

</pallas_src>

<mosaic_0001>
#map = affine_map<(d0, d1) -> (0, 0)>
#map1 = affine_map<(d0, d1) -> (0)>
#map2 = affine_map<(d0, d1) -> (0, 0, 0)>
module attributes {stable_mosaic.version = 14 : i64} {
  func.func @_edge_agg_body(%arg0: i32, %arg1: i32, %arg2: memref<10000x128xf32, #tpu.memory_space<hbm>>, %arg3: memref<10000x128xf32, #tpu.memory_space<hbm>>, %arg4: memref<320000x128xf32, #tpu.memory_space<hbm>>, %arg5: memref<320000xi32, #tpu.memory_space<hbm>>, %arg6: memref<320000xi32, #tpu.memory_space<hbm>>, %arg7: memref<10000x128xf32, #tpu.memory_space<hbm>>, %arg8: memref<40x128xf32, #tpu.memory_space<hbm>>, %arg9: memref<2x10000x128xf32, #tpu.memory_space<hbm>>, %arg10: memref<2x10000x128xf32, #tpu.memory_space<hbm>>, %arg11: memref<10000x128xf32, #tpu.memory_space<vmem_shared>>, %arg12: memref<40xi32, #tpu.memory_space<vmem>>, %arg13: memref<40xi32, #tpu.memory_space<vmem>>, %arg14: memref<40xi32, #tpu.memory_space<vmem>>, %arg15: memref<40xi32, #tpu.memory_space<vmem>>, %arg16: memref<40xi32, #tpu.memory_space<vmem>>, %arg17: memref<40xi32, #tpu.memory_space<vmem>>, %arg18: memref<40x128xf32, #tpu.memory_space<vmem>>, %arg19: memref<40x128xf32, #tpu.memory_space<vmem>>, %arg20: memref<40x128xf32, #tpu.memory_space<vmem>>, %arg21: memref<40x128xf32, #tpu.memory_space<vmem>>, %arg22: memref<40x128xf32, #tpu.memory_space<vmem>>, %arg23: memref<40x128xf32, #tpu.memory_space<vmem>>, %arg24: memref<!tpu.dma_semaphore, #tpu.memory_space<semaphore_mem>>, %arg25: memref<!tpu.dma_semaphore, #tpu.memory_space<semaphore_mem>>, %arg26: memref<!tpu.dma_semaphore, #tpu.memory_space<semaphore_mem>>, %arg27: memref<!tpu.dma_semaphore, #tpu.memory_space<semaphore_mem>>, %arg28: memref<!tpu.dma_semaphore, #tpu.memory_space<semaphore_mem>>, %arg29: memref<!tpu.dma_semaphore, #tpu.memory_space<semaphore_mem>>, %arg30: memref<!tpu.dma_semaphore, #tpu.memory_space<semaphore_mem>>, %arg31: memref<!tpu.dma_semaphore, #tpu.memory_space<semaphore_mem>>, %arg32: memref<!tpu.dma_semaphore, #tpu.memory_space<semaphore_mem>>, %arg33: memref<!tpu.dma_semaphore, #tpu.memory_space<semaphore_mem>>) attributes {dimension_semantics = [#tpu.dimension_semantics<core_parallel>, #tpu.dimension_semantics<subcore_parallel>], iteration_bounds = array<i64: 2, 16>, scalar_prefetch = 0 : i64, scratch_operands = 23 : i64, tpu.core_type = #tpu.core_type<sc_vector_subcore>, window_params = [{transform_indices = #map}, {transform_indices = #map}, {transform_indices = #map}, {transform_indices = #map1}, {transform_indices = #map1}, {transform_indices = #map}, {transform_indices = #map}, {transform_indices = #map2}, {transform_indices = #map2}]} {
    %mul3A = arith.constant 16 : i32
    %mul3A_0 = arith.muli %arg0, %mul3A : i32
    %add3A = arith.addi %mul3A_0, %arg1 : i32
    %mul3A_1 = arith.constant 624 : i32
    %mul3A_2 = arith.muli %arg1, %mul3A_1 : i32
    %mul3A_3 = arith.constant 10000 : i32
    %mul3A_4 = arith.muli %add3A, %mul3A_3 : i32
    "tpu.region"() ({
      %run_scoped3A = tpu.sem_alloc : memref<!tpu.dma_semaphore, #tpu.memory_space<semaphore_mem>>
      %dma_start3A_89 = arith.constant 0 : i32
      %dma_start3A_90 = tpu.memref_slice %arg11[%mul3A_2, %dma_start3A_89] : memref<10000x128xf32, #tpu.memory_space<vmem_shared>> -> memref<624x128xf32, #tpu.memory_space<vmem_shared>>
      %dma_start3A_91 = arith.constant 0 : i32
      %dma_start3A_92 = tpu.memref_slice %arg7[%mul3A_2, %dma_start3A_91] : memref<10000x128xf32, #tpu.memory_space<hbm>> -> memref<624x128xf32, #tpu.memory_space<hbm>>
      tpu.enqueue_dma source(%dma_start3A_92 : memref<624x128xf32, #tpu.memory_space<hbm>>) target(%dma_start3A_90 : memref<624x128xf32, #tpu.memory_space<vmem_shared>>) target_semaphore(%run_scoped3A : memref<!tpu.dma_semaphore, #tpu.memory_space<semaphore_mem>>)
      %dma_wait3A_93 = arith.constant 0 : i32
      %dma_wait3A_94 = tpu.memref_slice %arg11[%mul3A_2, %dma_wait3A_93] : memref<10000x128xf32, #tpu.memory_space<vmem_shared>> -> memref<624x128xf32, #tpu.memory_space<vmem_shared>>
      %dma_wait3A_95 = arith.constant 0 : i32
      %dma_wait3A_96 = tpu.memref_slice %arg7[%mul3A_2, %dma_wait3A_95] : memref<10000x128xf32, #tpu.memory_space<hbm>> -> memref<624x128xf32, #tpu.memory_space<hbm>>
      tpu.wait_dma2 semaphore(%run_scoped3A : memref<!tpu.dma_semaphore, #tpu.memory_space<semaphore_mem>>) src(%dma_wait3A_96 : memref<624x128xf32, #tpu.memory_space<hbm>>) dst(%dma_wait3A_94 : memref<624x128xf32, #tpu.memory_space<vmem_shared>>)
      tpu.yield
    }) : () -> ()
    %eq3A = arith.constant 15 : i32
    %eq3A_5 = arith.cmpi eq, %arg1, %eq3A : i32
    %convert_element_type3A = arith.extui %eq3A_5 : i1 to i32
    %cond3A = arith.constant 0 : i32
    %cond3A_6 = arith.cmpi ne, %convert_element_type3A, %cond3A : i32
    scf.if %cond3A_6 {
      "tpu.region"() ({
        %run_scoped3A = tpu.sem_alloc : memref<!tpu.dma_semaphore, #tpu.memory_space<semaphore_mem>>
        %dma_start3A_89 = arith.constant 9984 : i32
        %dma_start3A_90 = arith.constant 0 : i32
        %dma_start3A_91 = tpu.memref_slice %arg11[%dma_start3A_89, %dma_start3A_90] : memref<10000x128xf32, #tpu.memory_space<vmem_shared>> -> memref<16x128xf32, #tpu.memory_space<vmem_shared>>
        %dma_start3A_92 = arith.constant 9984 : i32
        %dma_start3A_93 = arith.constant 0 : i32
        %dma_start3A_94 = tpu.memref_slice %arg7[%dma_start3A_92, %dma_start3A_93] : memref<10000x128xf32, #tpu.memory_space<hbm>> -> memref<16x128xf32, #tpu.memory_space<hbm>>
        tpu.enqueue_dma source(%dma_start3A_94 : memref<16x128xf32, #tpu.memory_space<hbm>>) target(%dma_start3A_91 : memref<16x128xf32, #tpu.memory_space<vmem_shared>>) target_semaphore(%run_scoped3A : memref<!tpu.dma_semaphore, #tpu.memory_space<semaphore_mem>>)
        %dma_wait3A_95 = arith.constant 9984 : i32
        %dma_wait3A_96 = arith.constant 0 : i32
        %dma_wait3A_97 = tpu.memref_slice %arg11[%dma_wait3A_95, %dma_wait3A_96] : memref<10000x128xf32, #tpu.memory_space<vmem_shared>> -> memref<16x128xf32, #tpu.memory_space<vmem_shared>>
        %dma_wait3A_98 = arith.constant 9984 : i32
        %dma_wait3A_99 = arith.constant 0 : i32
        %dma_wait3A_100 = tpu.memref_slice %arg7[%dma_wait3A_98, %dma_wait3A_99] : memref<10000x128xf32, #tpu.memory_space<hbm>> -> memref<16x128xf32, #tpu.memory_space<hbm>>
        tpu.wait_dma2 semaphore(%run_scoped3A : memref<!tpu.dma_semaphore, #tpu.memory_space<semaphore_mem>>) src(%dma_wait3A_100 : memref<16x128xf32, #tpu.memory_space<hbm>>) dst(%dma_wait3A_97 : memref<16x128xf32, #tpu.memory_space<vmem_shared>>)
        tpu.yield
      }) : () -> ()
    } else {
    }
    %barrier3A = arith.constant 0 : index
    tpu.barrier barrier_id(%barrier3A)
    %add3A_7 = arith.constant 0 : i32
    %add3A_8 = arith.addi %mul3A_4, %add3A_7 : i32
    %dma_start3A = tpu.memref_slice %arg5[%add3A_8] : memref<320000xi32, #tpu.memory_space<hbm>> -> memref<40xi32, #tpu.memory_space<hbm>>
    %dma_start3A_9 = tpu.memref_slice %arg5[%add3A_8] : memref<320000xi32, #tpu.memory_space<hbm>> -> memref<40xi32, #tpu.memory_space<hbm>>
    tpu.enqueue_dma source(%dma_start3A_9 : memref<40xi32, #tpu.memory_space<hbm>>) target(%arg12 : memref<40xi32, #tpu.memory_space<vmem>>) target_semaphore(%arg30 : memref<!tpu.dma_semaphore, #tpu.memory_space<semaphore_mem>>)
    %dma_start3A_10 = tpu.memref_slice %arg6[%add3A_8] : memref<320000xi32, #tpu.memory_space<hbm>> -> memref<40xi32, #tpu.memory_space<hbm>>
    %dma_start3A_11 = tpu.memref_slice %arg6[%add3A_8] : memref<320000xi32, #tpu.memory_space<hbm>> -> memref<40xi32, #tpu.memory_space<hbm>>
    tpu.enqueue_dma source(%dma_start3A_11 : memref<40xi32, #tpu.memory_space<hbm>>) target(%arg14 : memref<40xi32, #tpu.memory_space<vmem>>) target_semaphore(%arg30 : memref<!tpu.dma_semaphore, #tpu.memory_space<semaphore_mem>>)
    %dma_wait3A = arith.constant 0 : i32
    %dma_wait3A_12 = tpu.memref_slice %arg5[%dma_wait3A] : memref<320000xi32, #tpu.memory_space<hbm>> -> memref<40xi32, #tpu.memory_space<hbm>>
    %dma_wait3A_13 = arith.constant 0 : i32
    %dma_wait3A_14 = tpu.memref_slice %arg5[%dma_wait3A_13] : memref<320000xi32, #tpu.memory_space<hbm>> -> memref<40xi32, #tpu.memory_space<hbm>>
    tpu.wait_dma2 semaphore(%arg30 : memref<!tpu.dma_semaphore, #tpu.memory_space<semaphore_mem>>) src(%dma_wait3A_14 : memref<40xi32, #tpu.memory_space<hbm>>) dst(%arg12 : memref<40xi32, #tpu.memory_space<vmem>>)
    %dma_wait3A_15 = arith.constant 0 : i32
    %dma_wait3A_16 = tpu.memref_slice %arg6[%dma_wait3A_15] : memref<320000xi32, #tpu.memory_space<hbm>> -> memref<40xi32, #tpu.memory_space<hbm>>
    %dma_wait3A_17 = arith.constant 0 : i32
    %dma_wait3A_18 = tpu.memref_slice %arg6[%dma_wait3A_17] : memref<320000xi32, #tpu.memory_space<hbm>> -> memref<40xi32, #tpu.memory_space<hbm>>
    tpu.wait_dma2 semaphore(%arg30 : memref<!tpu.dma_semaphore, #tpu.memory_space<semaphore_mem>>) src(%dma_wait3A_18 : memref<40xi32, #tpu.memory_space<hbm>>) dst(%arg14 : memref<40xi32, #tpu.memory_space<vmem>>)
    %add3A_19 = arith.constant 40 : i32
    %add3A_20 = arith.addi %mul3A_4, %add3A_19 : i32
    %dma_start3A_21 = tpu.memref_slice %arg5[%add3A_20] : memref<320000xi32, #tpu.memory_space<hbm>> -> memref<40xi32, #tpu.memory_space<hbm>>
    %dma_start3A_22 = tpu.memref_slice %arg5[%add3A_20] : memref<320000xi32, #tpu.memory_space<hbm>> -> memref<40xi32, #tpu.memory_space<hbm>>
    tpu.enqueue_dma source(%dma_start3A_22 : memref<40xi32, #tpu.memory_space<hbm>>) target(%arg13 : memref<40xi32, #tpu.memory_space<vmem>>) target_semaphore(%arg31 : memref<!tpu.dma_semaphore, #tpu.memory_space<semaphore_mem>>)
    %dma_start3A_23 = tpu.memref_slice %arg6[%add3A_20] : memref<320000xi32, #tpu.memory_space<hbm>> -> memref<40xi32, #tpu.memory_space<hbm>>
    %dma_start3A_24 = tpu.memref_slice %arg6[%add3A_20] : memref<320000xi32, #tpu.memory_space<hbm>> -> memref<40xi32, #tpu.memory_space<hbm>>
    tpu.enqueue_dma source(%dma_start3A_24 : memref<40xi32, #tpu.memory_space<hbm>>) target(%arg15 : memref<40xi32, #tpu.memory_space<vmem>>) target_semaphore(%arg31 : memref<!tpu.dma_semaphore, #tpu.memory_space<semaphore_mem>>)
    %add3A_25 = arith.constant 0 : i32
    %add3A_26 = arith.addi %mul3A_4, %add3A_25 : i32
    %dma_start3A_27 = arith.constant 0 : i32
    %dma_start3A_28 = arith.constant 0 : i32
    %dma_start3A_29 = tpu.memref_slice %arg2[%dma_start3A_27, %dma_start3A_28] : memref<10000x128xf32, #tpu.memory_space<hbm>> -> memref<10000x128xf32, #tpu.memory_space<hbm>>
    tpu.enqueue_indirect_dma source(%dma_start3A_29 : memref<10000x128xf32, #tpu.memory_space<hbm>>) target(%arg18 : memref<40x128xf32, #tpu.memory_space<vmem>>) offsets(%arg12 : memref<40xi32, #tpu.memory_space<vmem>>) semaphore(%arg24 : memref<!tpu.dma_semaphore, #tpu.memory_space<semaphore_mem>>)
    %dma_start3A_30 = arith.constant 0 : i32
    %dma_start3A_31 = arith.constant 0 : i32
    %dma_start3A_32 = tpu.memref_slice %arg3[%dma_start3A_30, %dma_start3A_31] : memref<10000x128xf32, #tpu.memory_space<hbm>> -> memref<10000x128xf32, #tpu.memory_space<hbm>>
    tpu.enqueue_indirect_dma source(%dma_start3A_32 : memref<10000x128xf32, #tpu.memory_space<hbm>>) target(%arg20 : memref<40x128xf32, #tpu.memory_space<vmem>>) offsets(%arg14 : memref<40xi32, #tpu.memory_space<vmem>>) semaphore(%arg26 : memref<!tpu.dma_semaphore, #tpu.memory_space<semaphore_mem>>)
    %dma_start3A_33 = arith.constant 0 : i32
    %dma_start3A_34 = tpu.memref_slice %arg4[%add3A_26, %dma_start3A_33] : memref<320000x128xf32, #tpu.memory_space<hbm>> -> memref<40x128xf32, #tpu.memory_space<hbm>>
    %dma_start3A_35 = arith.constant 0 : i32
    %dma_start3A_36 = tpu.memref_slice %arg4[%add3A_26, %dma_start3A_35] : memref<320000x128xf32, #tpu.memory_space<hbm>> -> memref<40x128xf32, #tpu.memory_space<hbm>>
    tpu.enqueue_dma source(%dma_start3A_36 : memref<40x128xf32, #tpu.memory_space<hbm>>) target(%arg22 : memref<40x128xf32, #tpu.memory_space<vmem>>) target_semaphore(%arg28 : memref<!tpu.dma_semaphore, #tpu.memory_space<semaphore_mem>>)
    %scan3A = arith.constant 0 : i32
    %scan3A_37 = arith.constant 0 : i32
    %scan3A_38 = arith.constant 125 : i32
    %scan3A_39 = arith.addi %scan3A_37, %scan3A_38 : i32
    %scan3A_40 = arith.constant 1 : i32
    scf.for %scan3A_89 = %scan3A_37 to %scan3A_39 step %scan3A_40  : i32 {
      %mul3A_90 = arith.constant 2 : i32
      %mul3A_91 = arith.muli %mul3A_90, %scan3A_89 : i32
      %add3A_92 = arith.constant 0 : i32
      %add3A_93 = arith.addi %mul3A_91, %add3A_92 : i32
      %dma_wait3A_94 = arith.constant 0 : i32
      %dma_wait3A_95 = arith.constant 0 : i32
      %dma_wait3A_96 = tpu.memref_slice %arg4[%dma_wait3A_94, %dma_wait3A_95] : memref<320000x128xf32, #tpu.memory_space<hbm>> -> memref<40x128xf32, #tpu.memory_space<hbm>>
      %dma_wait3A_97 = arith.constant 0 : i32
      %dma_wait3A_98 = arith.constant 0 : i32
      %dma_wait3A_99 = tpu.memref_slice %arg4[%dma_wait3A_97, %dma_wait3A_98] : memref<320000x128xf32, #tpu.memory_space<hbm>> -> memref<40x128xf32, #tpu.memory_space<hbm>>
      tpu.wait_dma2 semaphore(%arg24 : memref<!tpu.dma_semaphore, #tpu.memory_space<semaphore_mem>>) src(%dma_wait3A_99 : memref<40x128xf32, #tpu.memory_space<hbm>>) dst(%arg18 : memref<40x128xf32, #tpu.memory_space<vmem>>)
      %dma_wait3A_100 = arith.constant 0 : i32
      %dma_wait3A_101 = arith.constant 0 : i32
      %dma_wait3A_102 = tpu.memref_slice %arg4[%dma_wait3A_100, %dma_wait3A_101] : memref<320000x128xf32, #tpu.memory_space<hbm>> -> memref<40x128xf32, #tpu.memory_space<hbm>>
      %dma_wait3A_103 = arith.constant 0 : i32
      %dma_wait3A_104 = arith.constant 0 : i32
      %dma_wait3A_105 = tpu.memref_slice %arg4[%dma_wait3A_103, %dma_wait3A_104] : memref<320000x128xf32, #tpu.memory_space<hbm>> -> memref<40x128xf32, #tpu.memory_space<hbm>>
      tpu.wait_dma2 semaphore(%arg26 : memref<!tpu.dma_semaphore, #tpu.memory_space<semaphore_mem>>) src(%dma_wait3A_105 : memref<40x128xf32, #tpu.memory_space<hbm>>) dst(%arg20 : memref<40x128xf32, #tpu.memory_space<vmem>>)
      %dma_wait3A_106 = arith.constant 0 : i32
      %dma_wait3A_107 = arith.constant 0 : i32
      %dma_wait3A_108 = tpu.memref_slice %arg4[%dma_wait3A_106, %dma_wait3A_107] : memref<320000x128xf32, #tpu.memory_space<hbm>> -> memref<40x128xf32, #tpu.memory_space<hbm>>
      %dma_wait3A_109 = arith.constant 0 : i32
      %dma_wait3A_110 = arith.constant 0 : i32
      %dma_wait3A_111 = tpu.memref_slice %arg4[%dma_wait3A_109, %dma_wait3A_110] : memref<320000x128xf32, #tpu.memory_space<hbm>> -> memref<40x128xf32, #tpu.memory_space<hbm>>
      tpu.wait_dma2 semaphore(%arg28 : memref<!tpu.dma_semaphore, #tpu.memory_space<semaphore_mem>>) src(%dma_wait3A_111 : memref<40x128xf32, #tpu.memory_space<hbm>>) dst(%arg22 : memref<40x128xf32, #tpu.memory_space<vmem>>)
      %ge3A = arith.constant 1 : i32
      %ge3A_112 = arith.cmpi sge, %add3A_93, %ge3A : i32
      %add3A_113 = arith.constant 1 : i32
      %add3A_114 = arith.addi %add3A_93, %add3A_113 : i32
      %lt3A = arith.constant 250 : i32
      %lt3A_115 = arith.cmpi slt, %add3A_114, %lt3A : i32
      %and3A = arith.andi %ge3A_112, %lt3A_115 : i1
      %convert_element_type3A_116 = arith.extui %and3A : i1 to i32
      %cond3A_117 = arith.constant 0 : i32
      %cond3A_118 = arith.cmpi ne, %convert_element_type3A_116, %cond3A_117 : i32
      scf.if %cond3A_118 {
        %dma_wait3A_237 = arith.constant 0 : i32
        %dma_wait3A_238 = arith.constant 0 : i32
        %dma_wait3A_239 = tpu.memref_slice %arg11[%dma_wait3A_237, %dma_wait3A_238] : memref<10000x128xf32, #tpu.memory_space<vmem_shared>> -> memref<10000x128xf32, #tpu.memory_space<vmem_shared>>
        tpu.wait_indirect_dma semaphore(%arg33 : memref<!tpu.dma_semaphore, #tpu.memory_space<semaphore_mem>>) src(%arg23 : memref<40x128xf32, #tpu.memory_space<vmem>>) dst(%dma_wait3A_239 : memref<10000x128xf32, #tpu.memory_space<vmem_shared>>)
      } else {
      }
      %add3A_119 = arith.constant 1 : i32
      %add3A_120 = arith.addi %add3A_93, %add3A_119 : i32
      %lt3A_121 = arith.constant 250 : i32
      %lt3A_122 = arith.cmpi slt, %add3A_120, %lt3A_121 : i32
      %convert_element_type3A_123 = arith.extui %lt3A_122 : i1 to i32
      %cond3A_124 = arith.constant 0 : i32
      %cond3A_125 = arith.cmpi ne, %convert_element_type3A_123, %cond3A_124 : i32
      scf.if %cond3A_125 {
        %dma_wait3A_237 = arith.constant 0 : i32
        %dma_wait3A_238 = tpu.memref_slice %arg5[%dma_wait3A_237] : memref<320000xi32, #tpu.memory_space<hbm>> -> memref<40xi32, #tpu.memory_space<hbm>>
        %dma_wait3A_239 = arith.constant 0 : i32
        %dma_wait3A_240 = tpu.memref_slice %arg5[%dma_wait3A_239] : memref<320000xi32, #tpu.memory_space<hbm>> -> memref<40xi32, #tpu.memory_space<hbm>>
        tpu.wait_dma2 semaphore(%arg31 : memref<!tpu.dma_semaphore, #tpu.memory_space<semaphore_mem>>) src(%dma_wait3A_240 : memref<40xi32, #tpu.memory_space<hbm>>) dst(%arg13 : memref<40xi32, #tpu.memory_space<vmem>>)
        %dma_wait3A_241 = arith.constant 0 : i32
        %dma_wait3A_242 = tpu.memref_slice %arg6[%dma_wait3A_241] : memref<320000xi32, #tpu.memory_space<hbm>> -> memref<40xi32, #tpu.memory_space<hbm>>
        %dma_wait3A_243 = arith.constant 0 : i32
        %dma_wait3A_244 = tpu.memref_slice %arg6[%dma_wait3A_243] : memref<320000xi32, #tpu.memory_space<hbm>> -> memref<40xi32, #tpu.memory_space<hbm>>
        tpu.wait_dma2 semaphore(%arg31 : memref<!tpu.dma_semaphore, #tpu.memory_space<semaphore_mem>>) src(%dma_wait3A_244 : memref<40xi32, #tpu.memory_space<hbm>>) dst(%arg15 : memref<40xi32, #tpu.memory_space<vmem>>)
        %add3A_245 = arith.constant 1 : i32
        %add3A_246 = arith.addi %add3A_93, %add3A_245 : i32
        %mul3A_247 = arith.constant 40 : i32
        %mul3A_248 = arith.muli %add3A_246, %mul3A_247 : i32
        %add3A_249 = arith.addi %mul3A_4, %mul3A_248 : i32
        %dma_start3A_250 = arith.constant 0 : i32
        %dma_start3A_251 = arith.constant 0 : i32
        %dma_start3A_252 = tpu.memref_slice %arg2[%dma_start3A_250, %dma_start3A_251] : memref<10000x128xf32, #tpu.memory_space<hbm>> -> memref<10000x128xf32, #tpu.memory_space<hbm>>
        tpu.enqueue_indirect_dma source(%dma_start3A_252 : memref<10000x128xf32, #tpu.memory_space<hbm>>) target(%arg19 : memref<40x128xf32, #tpu.memory_space<vmem>>) offsets(%arg13 : memref<40xi32, #tpu.memory_space<vmem>>) semaphore(%arg25 : memref<!tpu.dma_semaphore, #tpu.memory_space<semaphore_mem>>)
        %dma_start3A_253 = arith.constant 0 : i32
        %dma_start3A_254 = arith.constant 0 : i32
        %dma_start3A_255 = tpu.memref_slice %arg3[%dma_start3A_253, %dma_start3A_254] : memref<10000x128xf32, #tpu.memory_space<hbm>> -> memref<10000x128xf32, #tpu.memory_space<hbm>>
        tpu.enqueue_indirect_dma source(%dma_start3A_255 : memref<10000x128xf32, #tpu.memory_space<hbm>>) target(%arg21 : memref<40x128xf32, #tpu.memory_space<vmem>>) offsets(%arg15 : memref<40xi32, #tpu.memory_space<vmem>>) semaphore(%arg27 : memref<!tpu.dma_semaphore, #tpu.memory_space<semaphore_mem>>)
        %dma_start3A_256 = arith.constant 0 : i32
        %dma_start3A_257 = tpu.memref_slice %arg4[%add3A_249, %dma_start3A_256] : memref<320000x128xf32, #tpu.memory_space<hbm>> -> memref<40x128xf32, #tpu.memory_space<hbm>>
        %dma_start3A_258 = arith.constant 0 : i32
        %dma_start3A_259 = tpu.memref_slice %arg4[%add3A_249, %dma_start3A_258] : memref<320000x128xf32, #tpu.memory_space<hbm>> -> memref<40x128xf32, #tpu.memory_space<hbm>>
        tpu.enqueue_dma source(%dma_start3A_259 : memref<40x128xf32, #tpu.memory_space<hbm>>) target(%arg23 : memref<40x128xf32, #tpu.memory_space<vmem>>) target_semaphore(%arg29 : memref<!tpu.dma_semaphore, #tpu.memory_space<semaphore_mem>>)
      } else {
      }
      %scan3A_126 = arith.constant 0 : i32
      %scan3A_127 = arith.constant 0 : i32
      %scan3A_128 = arith.constant 40 : i32
      %scan3A_129 = arith.addi %scan3A_127, %scan3A_128 : i32
      %scan3A_130 = arith.constant 1 : i32
      scf.for %scan3A_237 = %scan3A_127 to %scan3A_129 step %scan3A_130  : i32 {
        %get3A_238 = arith.index_cast %scan3A_237 : i32 to index
        %get3A_239 = arith.constant 0 : index
        %get3A_240 = tpu.vector_load %arg18[%get3A_238, %get3A_239] {strides = array<i32>} : memref<40x128xf32, #tpu.memory_space<vmem>>, vector<1x16xf32>,
        %get3A_241 = vector.shape_cast %get3A_240 : vector<1x16xf32> to vector<16xf32>
        %get3A_242 = arith.index_cast %scan3A_237 : i32 to index
        %get3A_243 = arith.constant 0 : index
        %get3A_244 = tpu.vector_load %arg20[%get3A_242, %get3A_243] {strides = array<i32>} : memref<40x128xf32, #tpu.memory_space<vmem>>, vector<1x16xf32>,
        %get3A_245 = vector.shape_cast %get3A_244 : vector<1x16xf32> to vector<16xf32>
        %add3A_246 = arith.addf %get3A_241, %get3A_245 : vector<16xf32>
        %get3A_247 = arith.index_cast %scan3A_237 : i32 to index
        %get3A_248 = arith.constant 0 : index
        %get3A_249 = tpu.vector_load %arg22[%get3A_247, %get3A_248] {strides = array<i32>} : memref<40x128xf32, #tpu.memory_space<vmem>>, vector<1x16xf32>,
        %get3A_250 = vector.shape_cast %get3A_249 : vector<1x16xf32> to vector<16xf32>
        %add3A_251 = arith.addf %add3A_246, %get3A_250 : vector<16xf32>
        %max3A = arith.constant 0.000000e+00 : f32
        %max3A_252 = vector.broadcast %max3A : f32 to vector<16xf32>
        %max3A_253 = arith.maximumf %add3A_251, %max3A_252 : vector<16xf32>
        %swap3A_254 = arith.index_cast %scan3A_237 : i32 to index
        %swap3A_255 = arith.constant 0 : index
        %swap3A_256 = tpu.vector_load %arg22[%swap3A_254, %swap3A_255] {strides = array<i32>} : memref<40x128xf32, #tpu.memory_space<vmem>>, vector<1x16xf32>,
        %swap3A_257 = vector.shape_cast %swap3A_256 : vector<1x16xf32> to vector<16xf32>
        %swap3A_258 = vector.shape_cast %max3A_253 : vector<16xf32> to vector<1x16xf32>
        tpu.vector_store %arg22[%swap3A_254, %swap3A_255], %swap3A_258 {strides = array<i32>} : memref<40x128xf32, #tpu.memory_space<vmem>>, vector<1x16xf32>,
        %get3A_259 = arith.index_cast %scan3A_237 : i32 to index
        %get3A_260 = arith.constant 16 : index
        %get3A_261 = tpu.vector_load %arg18[%get3A_259, %get3A_260] {strides = array<i32>} : memref<40x128xf32, #tpu.memory_space<vmem>>, vector<1x16xf32>,
        %get3A_262 = vector.shape_cast %get3A_261 : vector<1x16xf32> to vector<16xf32>
        %get3A_263 = arith.index_cast %scan3A_237 : i32 to index
        %get3A_264 = arith.constant 16 : index
        %get3A_265 = tpu.vector_load %arg20[%get3A_263, %get3A_264] {strides = array<i32>} : memref<40x128xf32, #tpu.memory_space<vmem>>, vector<1x16xf32>,
        %get3A_266 = vector.shape_cast %get3A_265 : vector<1x16xf32> to vector<16xf32>
        %add3A_267 = arith.addf %get3A_262, %get3A_266 : vector<16xf32>
        %get3A_268 = arith.index_cast %scan3A_237 : i32 to index
        %get3A_269 = arith.constant 16 : index
        %get3A_270 = tpu.vector_load %arg22[%get3A_268, %get3A_269] {strides = array<i32>} : memref<40x128xf32, #tpu.memory_space<vmem>>, vector<1x16xf32>,
        %get3A_271 = vector.shape_cast %get3A_270 : vector<1x16xf32> to vector<16xf32>
        %add3A_272 = arith.addf %add3A_267, %get3A_271 : vector<16xf32>
        %max3A_273 = arith.constant 0.000000e+00 : f32
        %max3A_274 = vector.broadcast %max3A_273 : f32 to vector<16xf32>
        %max3A_275 = arith.maximumf %add3A_272, %max3A_274 : vector<16xf32>
        %swap3A_276 = arith.index_cast %scan3A_237 : i32 to index
        %swap3A_277 = arith.constant 16 : index
        %swap3A_278 = tpu.vector_load %arg22[%swap3A_276, %swap3A_277] {strides = array<i32>} : memref<40x128xf32, #tpu.memory_space<vmem>>, vector<1x16xf32>,
        %swap3A_279 = vector.shape_cast %swap3A_278 : vector<1x16xf32> to vector<16xf32>
        %swap3A_280 = vector.shape_cast %max3A_275 : vector<16xf32> to vector<1x16xf32>
        tpu.vector_store %arg22[%swap3A_276, %swap3A_277], %swap3A_280 {strides = array<i32>} : memref<40x128xf32, #tpu.memory_space<vmem>>, vector<1x16xf32>,
        %get3A_281 = arith.index_cast %scan3A_237 : i32 to index
        %get3A_282 = arith.constant 32 : index
        %get3A_283 = tpu.vector_load %arg18[%get3A_281, %get3A_282] {strides = array<i32>} : memref<40x128xf32, #tpu.memory_space<vmem>>, vector<1x16xf32>,
        %get3A_284 = vector.shape_cast %get3A_283 : vector<1x16xf32> to vector<16xf32>
        %get3A_285 = arith.index_cast %scan3A_237 : i32 to index
        %get3A_286 = arith.constant 32 : index
        %get3A_287 = tpu.vector_load %arg20[%get3A_285, %get3A_286] {strides = array<i32>} : memref<40x128xf32, #tpu.memory_space<vmem>>, vector<1x16xf32>,
        %get3A_288 = vector.shape_cast %get3A_287 : vector<1x16xf32> to vector<16xf32>
        %add3A_289 = arith.addf %get3A_284, %get3A_288 : vector<16xf32>
        %get3A_290 = arith.index_cast %scan3A_237 : i32 to index
        %get3A_291 = arith.constant 32 : index
        %get3A_292 = tpu.vector_load %arg22[%get3A_290, %get3A_291] {strides = array<i32>} : memref<40x128xf32, #tpu.memory_space<vmem>>, vector<1x16xf32>,
        %get3A_293 = vector.shape_cast %get3A_292 : vector<1x16xf32> to vector<16xf32>
        %add3A_294 = arith.addf %add3A_289, %get3A_293 : vector<16xf32>
        %max3A_295 = arith.constant 0.000000e+00 : f32
        %max3A_296 = vector.broadcast %max3A_295 : f32 to vector<16xf32>
        %max3A_297 = arith.maximumf %add3A_294, %max3A_296 : vector<16xf32>
        %swap3A_298 = arith.index_cast %scan3A_237 : i32 to index
        %swap3A_299 = arith.constant 32 : index
        %swap3A_300 = tpu.vector_load %arg22[%swap3A_298, %swap3A_299] {strides = array<i32>} : memref<40x128xf32, #tpu.memory_space<vmem>>, vector<1x16xf32>,
        %swap3A_301 = vector.shape_cast %swap3A_300 : vector<1x16xf32> to vector<16xf32>
        %swap3A_302 = vector.shape_cast %max3A_297 : vector<16xf32> to vector<1x16xf32>
        tpu.vector_store %arg22[%swap3A_298, %swap3A_299], %swap3A_302 {strides = array<i32>} : memref<40x128xf32, #tpu.memory_space<vmem>>, vector<1x16xf32>,
        %get3A_303 = arith.index_cast %scan3A_237 : i32 to index
        %get3A_304 = arith.constant 48 : index
        %get3A_305 = tpu.vector_load %arg18[%get3A_303, %get3A_304] {strides = array<i32>} : memref<40x128xf32, #tpu.memory_space<vmem>>, vector<1x16xf32>,
        %get3A_306 = vector.shape_cast %get3A_305 : vector<1x16xf32> to vector<16xf32>
        %get3A_307 = arith.index_cast %scan3A_237 : i32 to index
        %get3A_308 = arith.constant 48 : index
        %get3A_309 = tpu.vector_load %arg20[%get3A_307, %get3A_308] {strides = array<i32>} : memref<40x128xf32, #tpu.memory_space<vmem>>, vector<1x16xf32>,
        %get3A_310 = vector.shape_cast %get3A_309 : vector<1x16xf32> to vector<16xf32>
        %add3A_311 = arith.addf %get3A_306, %get3A_310 : vector<16xf32>
        %get3A_312 = arith.index_cast %scan3A_237 : i32 to index
        %get3A_313 = arith.constant 48 : index
        %get3A_314 = tpu.vector_load %arg22[%get3A_312, %get3A_313] {strides = array<i32>} : memref<40x128xf32, #tpu.memory_space<vmem>>, vector<1x16xf32>,
        %get3A_315 = vector.shape_cast %get3A_314 : vector<1x16xf32> to vector<16xf32>
        %add3A_316 = arith.addf %add3A_311, %get3A_315 : vector<16xf32>
        %max3A_317 = arith.constant 0.000000e+00 : f32
        %max3A_318 = vector.broadcast %max3A_317 : f32 to vector<16xf32>
        %max3A_319 = arith.maximumf %add3A_316, %max3A_318 : vector<16xf32>
        %swap3A_320 = arith.index_cast %scan3A_237 : i32 to index
        %swap3A_321 = arith.constant 48 : index
        %swap3A_322 = tpu.vector_load %arg22[%swap3A_320, %swap3A_321] {strides = array<i32>} : memref<40x128xf32, #tpu.memory_space<vmem>>, vector<1x16xf32>,
        %swap3A_323 = vector.shape_cast %swap3A_322 : vector<1x16xf32> to vector<16xf32>
        %swap3A_324 = vector.shape_cast %max3A_319 : vector<16xf32> to vector<1x16xf32>
        tpu.vector_store %arg22[%swap3A_320, %swap3A_321], %swap3A_324 {strides = array<i32>} : memref<40x128xf32, #tpu.memory_space<vmem>>, vector<1x16xf32>,
        %get3A_325 = arith.index_cast %scan3A_237 : i32 to index
        %get3A_326 = arith.constant 64 : index
        %get3A_327 = tpu.vector_load %arg18[%get3A_325, %get3A_326] {strides = array<i32>} : memref<40x128xf32, #tpu.memory_space<vmem>>, vector<1x16xf32>,
        %get3A_328 = vector.shape_cast %get3A_327 : vector<1x16xf32> to vector<16xf32>
        %get3A_329 = arith.index_cast %scan3A_237 : i32 to index
        %get3A_330 = arith.constant 64 : index
        %get3A_331 = tpu.vector_load %arg20[%get3A_329, %get3A_330] {strides = array<i32>} : memref<40x128xf32, #tpu.memory_space<vmem>>, vector<1x16xf32>,
        %get3A_332 = vector.shape_cast %get3A_331 : vector<1x16xf32> to vector<16xf32>
        %add3A_333 = arith.addf %get3A_328, %get3A_332 : vector<16xf32>
        %get3A_334 = arith.index_cast %scan3A_237 : i32 to index
        %get3A_335 = arith.constant 64 : index
        %get3A_336 = tpu.vector_load %arg22[%get3A_334, %get3A_335] {strides = array<i32>} : memref<40x128xf32, #tpu.memory_space<vmem>>, vector<1x16xf32>,
        %get3A_337 = vector.shape_cast %get3A_336 : vector<1x16xf32> to vector<16xf32>
        %add3A_338 = arith.addf %add3A_333, %get3A_337 : vector<16xf32>
        %max3A_339 = arith.constant 0.000000e+00 : f32
        %max3A_340 = vector.broadcast %max3A_339 : f32 to vector<16xf32>
        %max3A_341 = arith.maximumf %add3A_338, %max3A_340 : vector<16xf32>
        %swap3A_342 = arith.index_cast %scan3A_237 : i32 to index
        %swap3A_343 = arith.constant 64 : index
        %swap3A_344 = tpu.vector_load %arg22[%swap3A_342, %swap3A_343] {strides = array<i32>} : memref<40x128xf32, #tpu.memory_space<vmem>>, vector<1x16xf32>,
        %swap3A_345 = vector.shape_cast %swap3A_344 : vector<1x16xf32> to vector<16xf32>
        %swap3A_346 = vector.shape_cast %max3A_341 : vector<16xf32> to vector<1x16xf32>
        tpu.vector_store %arg22[%swap3A_342, %swap3A_343], %swap3A_346 {strides = array<i32>} : memref<40x128xf32, #tpu.memory_space<vmem>>, vector<1x16xf32>,
        %get3A_347 = arith.index_cast %scan3A_237 : i32 to index
        %get3A_348 = arith.constant 80 : index
        %get3A_349 = tpu.vector_load %arg18[%get3A_347, %get3A_348] {strides = array<i32>} : memref<40x128xf32, #tpu.memory_space<vmem>>, vector<1x16xf32>,
        %get3A_350 = vector.shape_cast %get3A_349 : vector<1x16xf32> to vector<16xf32>
        %get3A_351 = arith.index_cast %scan3A_237 : i32 to index
        %get3A_352 = arith.constant 80 : index
        %get3A_353 = tpu.vector_load %arg20[%get3A_351, %get3A_352] {strides = array<i32>} : memref<40x128xf32, #tpu.memory_space<vmem>>, vector<1x16xf32>,
        %get3A_354 = vector.shape_cast %get3A_353 : vector<1x16xf32> to vector<16xf32>
        %add3A_355 = arith.addf %get3A_350, %get3A_354 : vector<16xf32>
        %get3A_356 = arith.index_cast %scan3A_237 : i32 to index
        %get3A_357 = arith.constant 80 : index
        %get3A_358 = tpu.vector_load %arg22[%get3A_356, %get3A_357] {strides = array<i32>} : memref<40x128xf32, #tpu.memory_space<vmem>>, vector<1x16xf32>,
        %get3A_359 = vector.shape_cast %get3A_358 : vector<1x16xf32> to vector<16xf32>
        %add3A_360 = arith.addf %add3A_355, %get3A_359 : vector<16xf32>
        %max3A_361 = arith.constant 0.000000e+00 : f32
        %max3A_362 = vector.broadcast %max3A_361 : f32 to vector<16xf32>
        %max3A_363 = arith.maximumf %add3A_360, %max3A_362 : vector<16xf32>
        %swap3A_364 = arith.index_cast %scan3A_237 : i32 to index
        %swap3A_365 = arith.constant 80 : index
        %swap3A_366 = tpu.vector_load %arg22[%swap3A_364, %swap3A_365] {strides = array<i32>} : memref<40x128xf32, #tpu.memory_space<vmem>>, vector<1x16xf32>,
        %swap3A_367 = vector.shape_cast %swap3A_366 : vector<1x16xf32> to vector<16xf32>
        %swap3A_368 = vector.shape_cast %max3A_363 : vector<16xf32> to vector<1x16xf32>
        tpu.vector_store %arg22[%swap3A_364, %swap3A_365], %swap3A_368 {strides = array<i32>} : memref<40x128xf32, #tpu.memory_space<vmem>>, vector<1x16xf32>,
        %get3A_369 = arith.index_cast %scan3A_237 : i32 to index
        %get3A_370 = arith.constant 96 : index
        %get3A_371 = tpu.vector_load %arg18[%get3A_369, %get3A_370] {strides = array<i32>} : memref<40x128xf32, #tpu.memory_space<vmem>>, vector<1x16xf32>,
        %get3A_372 = vector.shape_cast %get3A_371 : vector<1x16xf32> to vector<16xf32>
        %get3A_373 = arith.index_cast %scan3A_237 : i32 to index
        %get3A_374 = arith.constant 96 : index
        %get3A_375 = tpu.vector_load %arg20[%get3A_373, %get3A_374] {strides = array<i32>} : memref<40x128xf32, #tpu.memory_space<vmem>>, vector<1x16xf32>,
        %get3A_376 = vector.shape_cast %get3A_375 : vector<1x16xf32> to vector<16xf32>
        %add3A_377 = arith.addf %get3A_372, %get3A_376 : vector<16xf32>
        %get3A_378 = arith.index_cast %scan3A_237 : i32 to index
        %get3A_379 = arith.constant 96 : index
        %get3A_380 = tpu.vector_load %arg22[%get3A_378, %get3A_379] {strides = array<i32>} : memref<40x128xf32, #tpu.memory_space<vmem>>, vector<1x16xf32>,
        %get3A_381 = vector.shape_cast %get3A_380 : vector<1x16xf32> to vector<16xf32>
        %add3A_382 = arith.addf %add3A_377, %get3A_381 : vector<16xf32>
        %max3A_383 = arith.constant 0.000000e+00 : f32
        %max3A_384 = vector.broadcast %max3A_383 : f32 to vector<16xf32>
        %max3A_385 = arith.maximumf %add3A_382, %max3A_384 : vector<16xf32>
        %swap3A_386 = arith.index_cast %scan3A_237 : i32 to index
        %swap3A_387 = arith.constant 96 : index
        %swap3A_388 = tpu.vector_load %arg22[%swap3A_386, %swap3A_387] {strides = array<i32>} : memref<40x128xf32, #tpu.memory_space<vmem>>, vector<1x16xf32>,
        %swap3A_389 = vector.shape_cast %swap3A_388 : vector<1x16xf32> to vector<16xf32>
        %swap3A_390 = vector.shape_cast %max3A_385 : vector<16xf32> to vector<1x16xf32>
        tpu.vector_store %arg22[%swap3A_386, %swap3A_387], %swap3A_390 {strides = array<i32>} : memref<40x128xf32, #tpu.memory_space<vmem>>, vector<1x16xf32>,
        %get3A_391 = arith.index_cast %scan3A_237 : i32 to index
        %get3A_392 = arith.constant 112 : index
        %get3A_393 = tpu.vector_load %arg18[%get3A_391, %get3A_392] {strides = array<i32>} : memref<40x128xf32, #tpu.memory_space<vmem>>, vector<1x16xf32>,
        %get3A_394 = vector.shape_cast %get3A_393 : vector<1x16xf32> to vector<16xf32>
        %get3A_395 = arith.index_cast %scan3A_237 : i32 to index
        %get3A_396 = arith.constant 112 : index
        %get3A_397 = tpu.vector_load %arg20[%get3A_395, %get3A_396] {strides = array<i32>} : memref<40x128xf32, #tpu.memory_space<vmem>>, vector<1x16xf32>,
        %get3A_398 = vector.shape_cast %get3A_397 : vector<1x16xf32> to vector<16xf32>
        %add3A_399 = arith.addf %get3A_394, %get3A_398 : vector<16xf32>
        %get3A_400 = arith.index_cast %scan3A_237 : i32 to index
        %get3A_401 = arith.constant 112 : index
        %get3A_402 = tpu.vector_load %arg22[%get3A_400, %get3A_401] {strides = array<i32>} : memref<40x128xf32, #tpu.memory_space<vmem>>, vector<1x16xf32>,
        %get3A_403 = vector.shape_cast %get3A_402 : vector<1x16xf32> to vector<16xf32>
        %add3A_404 = arith.addf %add3A_399, %get3A_403 : vector<16xf32>
        %max3A_405 = arith.constant 0.000000e+00 : f32
        %max3A_406 = vector.broadcast %max3A_405 : f32 to vector<16xf32>
        %max3A_407 = arith.maximumf %add3A_404, %max3A_406 : vector<16xf32>
        %swap3A_408 = arith.index_cast %scan3A_237 : i32 to index
        %swap3A_409 = arith.constant 112 : index
        %swap3A_410 = tpu.vector_load %arg22[%swap3A_408, %swap3A_409] {strides = array<i32>} : memref<40x128xf32, #tpu.memory_space<vmem>>, vector<1x16xf32>,
        %swap3A_411 = vector.shape_cast %swap3A_410 : vector<1x16xf32> to vector<16xf32>
        %swap3A_412 = vector.shape_cast %max3A_407 : vector<16xf32> to vector<1x16xf32>
        tpu.vector_store %arg22[%swap3A_408, %swap3A_409], %swap3A_412 {strides = array<i32>} : memref<40x128xf32, #tpu.memory_space<vmem>>, vector<1x16xf32>,
      }
      %scan3A_131 = arith.constant 40 : i32
      %get3A = arith.constant 0 : index
      %get3A_132 = tpu.vector_load %arg14[%get3A] {strides = array<i32>} : memref<40xi32, #tpu.memory_space<vmem>>, vector<16xi32>,
      %get3A_133 = vector.shape_cast %get3A_132 : vector<16xi32> to vector<16xi32>
      %swap3A = arith.constant 0 : index
      %swap3A_134 = tpu.vector_load %arg16[%swap3A] {strides = array<i32>} : memref<40xi32, #tpu.memory_space<vmem>>, vector<16xi32>,
      %swap3A_135 = vector.shape_cast %swap3A_134 : vector<16xi32> to vector<16xi32>
      %swap3A_136 = vector.shape_cast %get3A_133 : vector<16xi32> to vector<16xi32>
      tpu.vector_store %arg16[%swap3A], %swap3A_136 {strides = array<i32>} : memref<40xi32, #tpu.memory_space<vmem>>, vector<16xi32>,
      %get3A_137 = arith.constant 16 : index
      %get3A_138 = tpu.vector_load %arg14[%get3A_137] {strides = array<i32>} : memref<40xi32, #tpu.memory_space<vmem>>, vector<16xi32>,
      %get3A_139 = vector.shape_cast %get3A_138 : vector<16xi32> to vector<16xi32>
      %swap3A_140 = arith.constant 16 : index
      %swap3A_141 = tpu.vector_load %arg16[%swap3A_140] {strides = array<i32>} : memref<40xi32, #tpu.memory_space<vmem>>, vector<16xi32>,
      %swap3A_142 = vector.shape_cast %swap3A_141 : vector<16xi32> to vector<16xi32>
      %swap3A_143 = vector.shape_cast %get3A_139 : vector<16xi32> to vector<16xi32>
      tpu.vector_store %arg16[%swap3A_140], %swap3A_143 {strides = array<i32>} : memref<40xi32, #tpu.memory_space<vmem>>, vector<16xi32>,
      %get3A_144 = arith.constant 24 : index
      %get3A_145 = tpu.vector_load %arg14[%get3A_144] {strides = array<i32>} : memref<40xi32, #tpu.memory_space<vmem>>, vector<16xi32>,
      %get3A_146 = vector.shape_cast %get3A_145 : vector<16xi32> to vector<16xi32>
      %swap3A_147 = arith.constant 24 : index
      %swap3A_148 = tpu.vector_load %arg16[%swap3A_147] {strides = array<i32>} : memref<40xi32, #tpu.memory_space<vmem>>, vector<16xi32>,
      %swap3A_149 = vector.shape_cast %swap3A_148 : vector<16xi32> to vector<16xi32>
      %swap3A_150 = vector.shape_cast %get3A_146 : vector<16xi32> to vector<16xi32>
      tpu.vector_store %arg16[%swap3A_147], %swap3A_150 {strides = array<i32>} : memref<40xi32, #tpu.memory_space<vmem>>, vector<16xi32>,
      %dma_start3A_151 = arith.constant 0 : i32
      %dma_start3A_152 = arith.constant 0 : i32
      %dma_start3A_153 = tpu.memref_slice %arg11[%dma_start3A_151, %dma_start3A_152] : memref<10000x128xf32, #tpu.memory_space<vmem_shared>> -> memref<10000x128xf32, #tpu.memory_space<vmem_shared>>
      tpu.enqueue_indirect_dma source(%arg22 : memref<40x128xf32, #tpu.memory_space<vmem>>) target(%dma_start3A_153 : memref<10000x128xf32, #tpu.memory_space<vmem_shared>>) offsets(%arg16 : memref<40xi32, #tpu.memory_space<vmem>>) semaphore(%arg32 : memref<!tpu.dma_semaphore, #tpu.memory_space<semaphore_mem>>) {add = true}
      %add3A_154 = arith.constant 2 : i32
      %add3A_155 = arith.addi %add3A_93, %add3A_154 : i32
      %lt3A_156 = arith.constant 250 : i32
      %lt3A_157 = arith.cmpi slt, %add3A_155, %lt3A_156 : i32
      %convert_element_type3A_158 = arith.extui %lt3A_157 : i1 to i32
      %cond3A_159 = arith.constant 0 : i32
      %cond3A_160 = arith.cmpi ne, %convert_element_type3A_158, %cond3A_159 : i32
      scf.if %cond3A_160 {
        %add3A_237 = arith.constant 2 : i32
        %add3A_238 = arith.addi %add3A_93, %add3A_237 : i32
        %mul3A_239 = arith.constant 40 : i32
        %mul3A_240 = arith.muli %add3A_238, %mul3A_239 : i32
        %add3A_241 = arith.addi %mul3A_4, %mul3A_240 : i32
        %dma_start3A_242 = tpu.memref_slice %arg5[%add3A_241] : memref<320000xi32, #tpu.memory_space<hbm>> -> memref<40xi32, #tpu.memory_space<hbm>>
        %dma_start3A_243 = tpu.memref_slice %arg5[%add3A_241] : memref<320000xi32, #tpu.memory_space<hbm>> -> memref<40xi32, #tpu.memory_space<hbm>>
        tpu.enqueue_dma source(%dma_start3A_243 : memref<40xi32, #tpu.memory_space<hbm>>) target(%arg12 : memref<40xi32, #tpu.memory_space<vmem>>) target_semaphore(%arg30 : memref<!tpu.dma_semaphore, #tpu.memory_space<semaphore_mem>>)
        %dma_start3A_244 = tpu.memref_slice %arg6[%add3A_241] : memref<320000xi32, #tpu.memory_space<hbm>> -> memref<40xi32, #tpu.memory_space<hbm>>
        %dma_start3A_245 = tpu.memref_slice %arg6[%add3A_241] : memref<320000xi32, #tpu.memory_space<hbm>> -> memref<40xi32, #tpu.memory_space<hbm>>
        tpu.enqueue_dma source(%dma_start3A_245 : memref<40xi32, #tpu.memory_space<hbm>>) target(%arg14 : memref<40xi32, #tpu.memory_space<vmem>>) target_semaphore(%arg30 : memref<!tpu.dma_semaphore, #tpu.memory_space<semaphore_mem>>)
      } else {
      }
      %mul3A_161 = arith.constant 2 : i32
      %mul3A_162 = arith.muli %mul3A_161, %scan3A_89 : i32
      %add3A_163 = arith.constant 1 : i32
      %add3A_164 = arith.addi %mul3A_162, %add3A_163 : i32
      %dma_wait3A_165 = arith.constant 0 : i32
      %dma_wait3A_166 = arith.constant 0 : i32
      %dma_wait3A_167 = tpu.memref_slice %arg4[%dma_wait3A_165, %dma_wait3A_166] : memref<320000x128xf32, #tpu.memory_space<hbm>> -> memref<40x128xf32, #tpu.memory_space<hbm>>
      %dma_wait3A_168 = arith.constant 0 : i32
      %dma_wait3A_169 = arith.constant 0 : i32
      %dma_wait3A_170 = tpu.memref_slice %arg4[%dma_wait3A_168, %dma_wait3A_169] : memref<320000x128xf32, #tpu.memory_space<hbm>> -> memref<40x128xf32, #tpu.memory_space<hbm>>
      tpu.wait_dma2 semaphore(%arg25 : memref<!tpu.dma_semaphore, #tpu.memory_space<semaphore_mem>>) src(%dma_wait3A_170 : memref<40x128xf32, #tpu.memory_space<hbm>>) dst(%arg19 : memref<40x128xf32, #tpu.memory_space<vmem>>)
      %dma_wait3A_171 = arith.constant 0 : i32
      %dma_wait3A_172 = arith.constant 0 : i32
      %dma_wait3A_173 = tpu.memref_slice %arg4[%dma_wait3A_171, %dma_wait3A_172] : memref<320000x128xf32, #tpu.memory_space<hbm>> -> memref<40x128xf32, #tpu.memory_space<hbm>>
      %dma_wait3A_174 = arith.constant 0 : i32
      %dma_wait3A_175 = arith.constant 0 : i32
      %dma_wait3A_176 = tpu.memref_slice %arg4[%dma_wait3A_174, %dma_wait3A_175] : memref<320000x128xf32, #tpu.memory_space<hbm>> -> memref<40x128xf32, #tpu.memory_space<hbm>>
      tpu.wait_dma2 semaphore(%arg27 : memref<!tpu.dma_semaphore, #tpu.memory_space<semaphore_mem>>) src(%dma_wait3A_176 : memref<40x128xf32, #tpu.memory_space<hbm>>) dst(%arg21 : memref<40x128xf32, #tpu.memory_space<vmem>>)
      %dma_wait3A_177 = arith.constant 0 : i32
      %dma_wait3A_178 = arith.constant 0 : i32
      %dma_wait3A_179 = tpu.memref_slice %arg4[%dma_wait3A_177, %dma_wait3A_178] : memref<320000x128xf32, #tpu.memory_space<hbm>> -> memref<40x128xf32, #tpu.memory_space<hbm>>
      %dma_wait3A_180 = arith.constant 0 : i32
      %dma_wait3A_181 = arith.constant 0 : i32
      %dma_wait3A_182 = tpu.memref_slice %arg4[%dma_wait3A_180, %dma_wait3A_181] : memref<320000x128xf32, #tpu.memory_space<hbm>> -> memref<40x128xf32, #tpu.memory_space<hbm>>
      tpu.wait_dma2 semaphore(%arg29 : memref<!tpu.dma_semaphore, #tpu.memory_space<semaphore_mem>>) src(%dma_wait3A_182 : memref<40x128xf32, #tpu.memory_space<hbm>>) dst(%arg23 : memref<40x128xf32, #tpu.memory_space<vmem>>)
      %ge3A_183 = arith.constant 1 : i32
      %ge3A_184 = arith.cmpi sge, %add3A_164, %ge3A_183 : i32
      %add3A_185 = arith.constant 1 : i32
      %add3A_186 = arith.addi %add3A_164, %add3A_185 : i32
      %lt3A_187 = arith.constant 250 : i32
      %lt3A_188 = arith.cmpi slt, %add3A_186, %lt3A_187 : i32
      %and3A_189 = arith.andi %ge3A_184, %lt3A_188 : i1
      %convert_element_type3A_190 = arith.extui %and3A_189 : i1 to i32
      %cond3A_191 = arith.constant 0 : i32
      %cond3A_192 = arith.cmpi ne, %convert_element_type3A_190, %cond3A_191 : i32
      scf.if %cond3A_192 {
        %dma_wait3A_237 = arith.constant 0 : i32
        %dma_wait3A_238 = arith.constant 0 : i32
        %dma_wait3A_239 = tpu.memref_slice %arg11[%dma_wait3A_237, %dma_wait3A_238] : memref<10000x128xf32, #tpu.memory_space<vmem_shared>> -> memref<10000x128xf32, #tpu.memory_space<vmem_shared>>
        tpu.wait_indirect_dma semaphore(%arg32 : memref<!tpu.dma_semaphore, #tpu.memory_space<semaphore_mem>>) src(%arg22 : memref<40x128xf32, #tpu.memory_space<vmem>>) dst(%dma_wait3A_239 : memref<10000x128xf32, #tpu.memory_space<vmem_shared>>)
      } else {
      }
      %add3A_193 = arith.constant 1 : i32
      %add3A_194 = arith.addi %add3A_164, %add3A_193 : i32
      %lt3A_195 = arith.constant 250 : i32
      %lt3A_196 = arith.cmpi slt, %add3A_194, %lt3A_195 : i32
      %convert_element_type3A_197 = arith.extui %lt3A_196 : i1 to i32
      %cond3A_198 = arith.constant 0 : i32
      %cond3A_199 = arith.cmpi ne, %convert_element_type3A_197, %cond3A_198 : i32
      scf.if %cond3A_199 {
        %dma_wait3A_237 = arith.constant 0 : i32
        %dma_wait3A_238 = tpu.memref_slice %arg5[%dma_wait3A_237] : memref<320000xi32, #tpu.memory_space<hbm>> -> memref<40xi32, #tpu.memory_space<hbm>>
        %dma_wait3A_239 = arith.constant 0 : i32
        %dma_wait3A_240 = tpu.memref_slice %arg5[%dma_wait3A_239] : memref<320000xi32, #tpu.memory_space<hbm>> -> memref<40xi32, #tpu.memory_space<hbm>>
        tpu.wait_dma2 semaphore(%arg30 : memref<!tpu.dma_semaphore, #tpu.memory_space<semaphore_mem>>) src(%dma_wait3A_240 : memref<40xi32, #tpu.memory_space<hbm>>) dst(%arg12 : memref<40xi32, #tpu.memory_space<vmem>>)
        %dma_wait3A_241 = arith.constant 0 : i32
        %dma_wait3A_242 = tpu.memref_slice %arg6[%dma_wait3A_241] : memref<320000xi32, #tpu.memory_space<hbm>> -> memref<40xi32, #tpu.memory_space<hbm>>
        %dma_wait3A_243 = arith.constant 0 : i32
        %dma_wait3A_244 = tpu.memref_slice %arg6[%dma_wait3A_243] : memref<320000xi32, #tpu.memory_space<hbm>> -> memref<40xi32, #tpu.memory_space<hbm>>
        tpu.wait_dma2 semaphore(%arg30 : memref<!tpu.dma_semaphore, #tpu.memory_space<semaphore_mem>>) src(%dma_wait3A_244 : memref<40xi32, #tpu.memory_space<hbm>>) dst(%arg14 : memref<40xi32, #tpu.memory_space<vmem>>)
        %add3A_245 = arith.constant 1 : i32
        %add3A_246 = arith.addi %add3A_164, %add3A_245 : i32
        %mul3A_247 = arith.constant 40 : i32
        %mul3A_248 = arith.muli %add3A_246, %mul3A_247 : i32
        %add3A_249 = arith.addi %mul3A_4, %mul3A_248 : i32
        %dma_start3A_250 = arith.constant 0 : i32
        %dma_start3A_251 = arith.constant 0 : i32
        %dma_start3A_252 = tpu.memref_slice %arg2[%dma_start3A_250, %dma_start3A_251] : memref<10000x128xf32, #tpu.memory_space<hbm>> -> memref<10000x128xf32, #tpu.memory_space<hbm>>
        tpu.enqueue_indirect_dma source(%dma_start3A_252 : memref<10000x128xf32, #tpu.memory_space<hbm>>) target(%arg18 : memref<40x128xf32, #tpu.memory_space<vmem>>) offsets(%arg12 : memref<40xi32, #tpu.memory_space<vmem>>) semaphore(%arg24 : memref<!tpu.dma_semaphore, #tpu.memory_space<semaphore_mem>>)
        %dma_start3A_253 = arith.constant 0 : i32
        %dma_start3A_254 = arith.constant 0 : i32
        %dma_start3A_255 = tpu.memref_slice %arg3[%dma_start3A_253, %dma_start3A_254] : memref<10000x128xf32, #tpu.memory_space<hbm>> -> memref<10000x128xf32, #tpu.memory_space<hbm>>
        tpu.enqueue_indirect_dma source(%dma_start3A_255 : memref<10000x128xf32, #tpu.memory_space<hbm>>) target(%arg20 : memref<40x128xf32, #tpu.memory_space<vmem>>) offsets(%arg14 : memref<40xi32, #tpu.memory_space<vmem>>) semaphore(%arg26 : memref<!tpu.dma_semaphore, #tpu.memory_space<semaphore_mem>>)
        %dma_start3A_256 = arith.constant 0 : i32
        %dma_start3A_257 = tpu.memref_slice %arg4[%add3A_249, %dma_start3A_256] : memref<320000x128xf32, #tpu.memory_space<hbm>> -> memref<40x128xf32, #tpu.memory_space<hbm>>
        %dma_start3A_258 = arith.constant 0 : i32
        %dma_start3A_259 = tpu.memref_slice %arg4[%add3A_249, %dma_start3A_258] : memref<320000x128xf32, #tpu.memory_space<hbm>> -> memref<40x128xf32, #tpu.memory_space<hbm>>
        tpu.enqueue_dma source(%dma_start3A_259 : memref<40x128xf32, #tpu.memory_space<hbm>>) target(%arg22 : memref<40x128xf32, #tpu.memory_space<vmem>>) target_semaphore(%arg28 : memref<!tpu.dma_semaphore, #tpu.memory_space<semaphore_mem>>)
      } else {
      }
      %scan3A_200 = arith.constant 0 : i32
      %scan3A_201 = arith.constant 0 : i32
      %scan3A_202 = arith.constant 40 : i32
      %scan3A_203 = arith.addi %scan3A_201, %scan3A_202 : i32
      %scan3A_204 = arith.constant 1 : i32
      scf.for %scan3A_237 = %scan3A_201 to %scan3A_203 step %scan3A_204  : i32 {
        %get3A_238 = arith.index_cast %scan3A_237 : i32 to index
        %get3A_239 = arith.constant 0 : index
        %get3A_240 = tpu.vector_load %arg19[%get3A_238, %get3A_239] {strides = array<i32>} : memref<40x128xf32, #tpu.memory_space<vmem>>, vector<1x16xf32>,
        %get3A_241 = vector.shape_cast %get3A_240 : vector<1x16xf32> to vector<16xf32>
        %get3A_242 = arith.index_cast %scan3A_237 : i32 to index
        %get3A_243 = arith.constant 0 : index
        %get3A_244 = tpu.vector_load %arg21[%get3A_242, %get3A_243] {strides = array<i32>} : memref<40x128xf32, #tpu.memory_space<vmem>>, vector<1x16xf32>,
        %get3A_245 = vector.shape_cast %get3A_244 : vector<1x16xf32> to vector<16xf32>
        %add3A_246 = arith.addf %get3A_241, %get3A_245 : vector<16xf32>
        %get3A_247 = arith.index_cast %scan3A_237 : i32 to index
        %get3A_248 = arith.constant 0 : index
        %get3A_249 = tpu.vector_load %arg23[%get3A_247, %get3A_248] {strides = array<i32>} : memref<40x128xf32, #tpu.memory_space<vmem>>, vector<1x16xf32>,
        %get3A_250 = vector.shape_cast %get3A_249 : vector<1x16xf32> to vector<16xf32>
        %add3A_251 = arith.addf %add3A_246, %get3A_250 : vector<16xf32>
        %max3A = arith.constant 0.000000e+00 : f32
        %max3A_252 = vector.broadcast %max3A : f32 to vector<16xf32>
        %max3A_253 = arith.maximumf %add3A_251, %max3A_252 : vector<16xf32>
        %swap3A_254 = arith.index_cast %scan3A_237 : i32 to index
        %swap3A_255 = arith.constant 0 : index
        %swap3A_256 = tpu.vector_load %arg23[%swap3A_254, %swap3A_255] {strides = array<i32>} : memref<40x128xf32, #tpu.memory_space<vmem>>, vector<1x16xf32>,
        %swap3A_257 = vector.shape_cast %swap3A_256 : vector<1x16xf32> to vector<16xf32>
        %swap3A_258 = vector.shape_cast %max3A_253 : vector<16xf32> to vector<1x16xf32>
        tpu.vector_store %arg23[%swap3A_254, %swap3A_255], %swap3A_258 {strides = array<i32>} : memref<40x128xf32, #tpu.memory_space<vmem>>, vector<1x16xf32>,
        %get3A_259 = arith.index_cast %scan3A_237 : i32 to index
        %get3A_260 = arith.constant 16 : index
        %get3A_261 = tpu.vector_load %arg19[%get3A_259, %get3A_260] {strides = array<i32>} : memref<40x128xf32, #tpu.memory_space<vmem>>, vector<1x16xf32>,
        %get3A_262 = vector.shape_cast %get3A_261 : vector<1x16xf32> to vector<16xf32>
        %get3A_263 = arith.index_cast %scan3A_237 : i32 to index
        %get3A_264 = arith.constant 16 : index
        %get3A_265 = tpu.vector_load %arg21[%get3A_263, %get3A_264] {strides = array<i32>} : memref<40x128xf32, #tpu.memory_space<vmem>>, vector<1x16xf32>,
        %get3A_266 = vector.shape_cast %get3A_265 : vector<1x16xf32> to vector<16xf32>
        %add3A_267 = arith.addf %get3A_262, %get3A_266 : vector<16xf32>
        %get3A_268 = arith.index_cast %scan3A_237 : i32 to index
        %get3A_269 = arith.constant 16 : index
        %get3A_270 = tpu.vector_load %arg23[%get3A_268, %get3A_269] {strides = array<i32>} : memref<40x128xf32, #tpu.memory_space<vmem>>, vector<1x16xf32>,
        %get3A_271 = vector.shape_cast %get3A_270 : vector<1x16xf32> to vector<16xf32>
        %add3A_272 = arith.addf %add3A_267, %get3A_271 : vector<16xf32>
        %max3A_273 = arith.constant 0.000000e+00 : f32
        %max3A_274 = vector.broadcast %max3A_273 : f32 to vector<16xf32>
        %max3A_275 = arith.maximumf %add3A_272, %max3A_274 : vector<16xf32>
        %swap3A_276 = arith.index_cast %scan3A_237 : i32 to index
        %swap3A_277 = arith.constant 16 : index
        %swap3A_278 = tpu.vector_load %arg23[%swap3A_276, %swap3A_277] {strides = array<i32>} : memref<40x128xf32, #tpu.memory_space<vmem>>, vector<1x16xf32>,
        %swap3A_279 = vector.shape_cast %swap3A_278 : vector<1x16xf32> to vector<16xf32>
        %swap3A_280 = vector.shape_cast %max3A_275 : vector<16xf32> to vector<1x16xf32>
        tpu.vector_store %arg23[%swap3A_276, %swap3A_277], %swap3A_280 {strides = array<i32>} : memref<40x128xf32, #tpu.memory_space<vmem>>, vector<1x16xf32>,
        %get3A_281 = arith.index_cast %scan3A_237 : i32 to index
        %get3A_282 = arith.constant 32 : index
        %get3A_283 = tpu.vector_load %arg19[%get3A_281, %get3A_282] {strides = array<i32>} : memref<40x128xf32, #tpu.memory_space<vmem>>, vector<1x16xf32>,
        %get3A_284 = vector.shape_cast %get3A_283 : vector<1x16xf32> to vector<16xf32>
        %get3A_285 = arith.index_cast %scan3A_237 : i32 to index
        %get3A_286 = arith.constant 32 : index
        %get3A_287 = tpu.vector_load %arg21[%get3A_285, %get3A_286] {strides = array<i32>} : memref<40x128xf32, #tpu.memory_space<vmem>>, vector<1x16xf32>,
        %get3A_288 = vector.shape_cast %get3A_287 : vector<1x16xf32> to vector<16xf32>
        %add3A_289 = arith.addf %get3A_284, %get3A_288 : vector<16xf32>
        %get3A_290 = arith.index_cast %scan3A_237 : i32 to index
        %get3A_291 = arith.constant 32 : index
        %get3A_292 = tpu.vector_load %arg23[%get3A_290, %get3A_291] {strides = array<i32>} : memref<40x128xf32, #tpu.memory_space<vmem>>, vector<1x16xf32>,
        %get3A_293 = vector.shape_cast %get3A_292 : vector<1x16xf32> to vector<16xf32>
        %add3A_294 = arith.addf %add3A_289, %get3A_293 : vector<16xf32>
        %max3A_295 = arith.constant 0.000000e+00 : f32
        %max3A_296 = vector.broadcast %max3A_295 : f32 to vector<16xf32>
        %max3A_297 = arith.maximumf %add3A_294, %max3A_296 : vector<16xf32>
        %swap3A_298 = arith.index_cast %scan3A_237 : i32 to index
        %swap3A_299 = arith.constant 32 : index
        %swap3A_300 = tpu.vector_load %arg23[%swap3A_298, %swap3A_299] {strides = array<i32>} : memref<40x128xf32, #tpu.memory_space<vmem>>, vector<1x16xf32>,
        %swap3A_301 = vector.shape_cast %swap3A_300 : vector<1x16xf32> to vector<16xf32>
        %swap3A_302 = vector.shape_cast %max3A_297 : vector<16xf32> to vector<1x16xf32>
        tpu.vector_store %arg23[%swap3A_298, %swap3A_299], %swap3A_302 {strides = array<i32>} : memref<40x128xf32, #tpu.memory_space<vmem>>, vector<1x16xf32>,
        %get3A_303 = arith.index_cast %scan3A_237 : i32 to index
        %get3A_304 = arith.constant 48 : index
        %get3A_305 = tpu.vector_load %arg19[%get3A_303, %get3A_304] {strides = array<i32>} : memref<40x128xf32, #tpu.memory_space<vmem>>, vector<1x16xf32>,
        %get3A_306 = vector.shape_cast %get3A_305 : vector<1x16xf32> to vector<16xf32>
        %get3A_307 = arith.index_cast %scan3A_237 : i32 to index
        %get3A_308 = arith.constant 48 : index
        %get3A_309 = tpu.vector_load %arg21[%get3A_307, %get3A_308] {strides = array<i32>} : memref<40x128xf32, #tpu.memory_space<vmem>>, vector<1x16xf32>,
        %get3A_310 = vector.shape_cast %get3A_309 : vector<1x16xf32> to vector<16xf32>
        %add3A_311 = arith.addf %get3A_306, %get3A_310 : vector<16xf32>
        %get3A_312 = arith.index_cast %scan3A_237 : i32 to index
        %get3A_313 = arith.constant 48 : index
        %get3A_314 = tpu.vector_load %arg23[%get3A_312, %get3A_313] {strides = array<i32>} : memref<40x128xf32, #tpu.memory_space<vmem>>, vector<1x16xf32>,
        %get3A_315 = vector.shape_cast %get3A_314 : vector<1x16xf32> to vector<16xf32>
        %add3A_316 = arith.addf %add3A_311, %get3A_315 : vector<16xf32>
        %max3A_317 = arith.constant 0.000000e+00 : f32
        %max3A_318 = vector.broadcast %max3A_317 : f32 to vector<16xf32>
        %max3A_319 = arith.maximumf %add3A_316, %max3A_318 : vector<16xf32>
        %swap3A_320 = arith.index_cast %scan3A_237 : i32 to index
        %swap3A_321 = arith.constant 48 : index
        %swap3A_322 = tpu.vector_load %arg23[%swap3A_320, %swap3A_321] {strides = array<i32>} : memref<40x128xf32, #tpu.memory_space<vmem>>, vector<1x16xf32>,
        %swap3A_323 = vector.shape_cast %swap3A_322 : vector<1x16xf32> to vector<16xf32>
        %swap3A_324 = vector.shape_cast %max3A_319 : vector<16xf32> to vector<1x16xf32>
        tpu.vector_store %arg23[%swap3A_320, %swap3A_321], %swap3A_324 {strides = array<i32>} : memref<40x128xf32, #tpu.memory_space<vmem>>, vector<1x16xf32>,
        %get3A_325 = arith.index_cast %scan3A_237 : i32 to index
        %get3A_326 = arith.constant 64 : index
        %get3A_327 = tpu.vector_load %arg19[%get3A_325, %get3A_326] {strides = array<i32>} : memref<40x128xf32, #tpu.memory_space<vmem>>, vector<1x16xf32>,
        %get3A_328 = vector.shape_cast %get3A_327 : vector<1x16xf32> to vector<16xf32>
        %get3A_329 = arith.index_cast %scan3A_237 : i32 to index
        %get3A_330 = arith.constant 64 : index
        %get3A_331 = tpu.vector_load %arg21[%get3A_329, %get3A_330] {strides = array<i32>} : memref<40x128xf32, #tpu.memory_space<vmem>>, vector<1x16xf32>,
        %get3A_332 = vector.shape_cast %get3A_331 : vector<1x16xf32> to vector<16xf32>
        %add3A_333 = arith.addf %get3A_328, %get3A_332 : vector<16xf32>
        %get3A_334 = arith.index_cast %scan3A_237 : i32 to index
        %get3A_335 = arith.constant 64 : index
        %get3A_336 = tpu.vector_load %arg23[%get3A_334, %get3A_335] {strides = array<i32>} : memref<40x128xf32, #tpu.memory_space<vmem>>, vector<1x16xf32>,
        %get3A_337 = vector.shape_cast %get3A_336 : vector<1x16xf32> to vector<16xf32>
        %add3A_338 = arith.addf %add3A_333, %get3A_337 : vector<16xf32>
        %max3A_339 = arith.constant 0.000000e+00 : f32
        %max3A_340 = vector.broadcast %max3A_339 : f32 to vector<16xf32>
        %max3A_341 = arith.maximumf %add3A_338, %max3A_340 : vector<16xf32>
        %swap3A_342 = arith.index_cast %scan3A_237 : i32 to index
        %swap3A_343 = arith.constant 64 : index
        %swap3A_344 = tpu.vector_load %arg23[%swap3A_342, %swap3A_343] {strides = array<i32>} : memref<40x128xf32, #tpu.memory_space<vmem>>, vector<1x16xf32>,
        %swap3A_345 = vector.shape_cast %swap3A_344 : vector<1x16xf32> to vector<16xf32>
        %swap3A_346 = vector.shape_cast %max3A_341 : vector<16xf32> to vector<1x16xf32>
        tpu.vector_store %arg23[%swap3A_342, %swap3A_343], %swap3A_346 {strides = array<i32>} : memref<40x128xf32, #tpu.memory_space<vmem>>, vector<1x16xf32>,
        %get3A_347 = arith.index_cast %scan3A_237 : i32 to index
        %get3A_348 = arith.constant 80 : index
        %get3A_349 = tpu.vector_load %arg19[%get3A_347, %get3A_348] {strides = array<i32>} : memref<40x128xf32, #tpu.memory_space<vmem>>, vector<1x16xf32>,
        %get3A_350 = vector.shape_cast %get3A_349 : vector<1x16xf32> to vector<16xf32>
        %get3A_351 = arith.index_cast %scan3A_237 : i32 to index
        %get3A_352 = arith.constant 80 : index
        %get3A_353 = tpu.vector_load %arg21[%get3A_351, %get3A_352] {strides = array<i32>} : memref<40x128xf32, #tpu.memory_space<vmem>>, vector<1x16xf32>,
        %get3A_354 = vector.shape_cast %get3A_353 : vector<1x16xf32> to vector<16xf32>
        %add3A_355 = arith.addf %get3A_350, %get3A_354 : vector<16xf32>
        %get3A_356 = arith.index_cast %scan3A_237 : i32 to index
        %get3A_357 = arith.constant 80 : index
        %get3A_358 = tpu.vector_load %arg23[%get3A_356, %get3A_357] {strides = array<i32>} : memref<40x128xf32, #tpu.memory_space<vmem>>, vector<1x16xf32>,
        %get3A_359 = vector.shape_cast %get3A_358 : vector<1x16xf32> to vector<16xf32>
        %add3A_360 = arith.addf %add3A_355, %get3A_359 : vector<16xf32>
        %max3A_361 = arith.constant 0.000000e+00 : f32
        %max3A_362 = vector.broadcast %max3A_361 : f32 to vector<16xf32>
        %max3A_363 = arith.maximumf %add3A_360, %max3A_362 : vector<16xf32>
        %swap3A_364 = arith.index_cast %scan3A_237 : i32 to index
        %swap3A_365 = arith.constant 80 : index
        %swap3A_366 = tpu.vector_load %arg23[%swap3A_364, %swap3A_365] {strides = array<i32>} : memref<40x128xf32, #tpu.memory_space<vmem>>, vector<1x16xf32>,
        %swap3A_367 = vector.shape_cast %swap3A_366 : vector<1x16xf32> to vector<16xf32>
        %swap3A_368 = vector.shape_cast %max3A_363 : vector<16xf32> to vector<1x16xf32>
        tpu.vector_store %arg23[%swap3A_364, %swap3A_365], %swap3A_368 {strides = array<i32>} : memref<40x128xf32, #tpu.memory_space<vmem>>, vector<1x16xf32>,
        %get3A_369 = arith.index_cast %scan3A_237 : i32 to index
        %get3A_370 = arith.constant 96 : index
        %get3A_371 = tpu.vector_load %arg19[%get3A_369, %get3A_370] {strides = array<i32>} : memref<40x128xf32, #tpu.memory_space<vmem>>, vector<1x16xf32>,
        %get3A_372 = vector.shape_cast %get3A_371 : vector<1x16xf32> to vector<16xf32>
        %get3A_373 = arith.index_cast %scan3A_237 : i32 to index
        %get3A_374 = arith.constant 96 : index
        %get3A_375 = tpu.vector_load %arg21[%get3A_373, %get3A_374] {strides = array<i32>} : memref<40x128xf32, #tpu.memory_space<vmem>>, vector<1x16xf32>,
        %get3A_376 = vector.shape_cast %get3A_375 : vector<1x16xf32> to vector<16xf32>
        %add3A_377 = arith.addf %get3A_372, %get3A_376 : vector<16xf32>
        %get3A_378 = arith.index_cast %scan3A_237 : i32 to index
        %get3A_379 = arith.constant 96 : index
        %get3A_380 = tpu.vector_load %arg23[%get3A_378, %get3A_379] {strides = array<i32>} : memref<40x128xf32, #tpu.memory_space<vmem>>, vector<1x16xf32>,
        %get3A_381 = vector.shape_cast %get3A_380 : vector<1x16xf32> to vector<16xf32>
        %add3A_382 = arith.addf %add3A_377, %get3A_381 : vector<16xf32>
        %max3A_383 = arith.constant 0.000000e+00 : f32
        %max3A_384 = vector.broadcast %max3A_383 : f32 to vector<16xf32>
        %max3A_385 = arith.maximumf %add3A_382, %max3A_384 : vector<16xf32>
        %swap3A_386 = arith.index_cast %scan3A_237 : i32 to index
        %swap3A_387 = arith.constant 96 : index
        %swap3A_388 = tpu.vector_load %arg23[%swap3A_386, %swap3A_387] {strides = array<i32>} : memref<40x128xf32, #tpu.memory_space<vmem>>, vector<1x16xf32>,
        %swap3A_389 = vector.shape_cast %swap3A_388 : vector<1x16xf32> to vector<16xf32>
        %swap3A_390 = vector.shape_cast %max3A_385 : vector<16xf32> to vector<1x16xf32>
        tpu.vector_store %arg23[%swap3A_386, %swap3A_387], %swap3A_390 {strides = array<i32>} : memref<40x128xf32, #tpu.memory_space<vmem>>, vector<1x16xf32>,
        %get3A_391 = arith.index_cast %scan3A_237 : i32 to index
        %get3A_392 = arith.constant 112 : index
        %get3A_393 = tpu.vector_load %arg19[%get3A_391, %get3A_392] {strides = array<i32>} : memref<40x128xf32, #tpu.memory_space<vmem>>, vector<1x16xf32>,
        %get3A_394 = vector.shape_cast %get3A_393 : vector<1x16xf32> to vector<16xf32>
        %get3A_395 = arith.index_cast %scan3A_237 : i32 to index
        %get3A_396 = arith.constant 112 : index
        %get3A_397 = tpu.vector_load %arg21[%get3A_395, %get3A_396] {strides = array<i32>} : memref<40x128xf32, #tpu.memory_space<vmem>>, vector<1x16xf32>,
        %get3A_398 = vector.shape_cast %get3A_397 : vector<1x16xf32> to vector<16xf32>
        %add3A_399 = arith.addf %get3A_394, %get3A_398 : vector<16xf32>
        %get3A_400 = arith.index_cast %scan3A_237 : i32 to index
        %get3A_401 = arith.constant 112 : index
        %get3A_402 = tpu.vector_load %arg23[%get3A_400, %get3A_401] {strides = array<i32>} : memref<40x128xf32, #tpu.memory_space<vmem>>, vector<1x16xf32>,
        %get3A_403 = vector.shape_cast %get3A_402 : vector<1x16xf32> to vector<16xf32>
        %add3A_404 = arith.addf %add3A_399, %get3A_403 : vector<16xf32>
        %max3A_405 = arith.constant 0.000000e+00 : f32
        %max3A_406 = vector.broadcast %max3A_405 : f32 to vector<16xf32>
        %max3A_407 = arith.maximumf %add3A_404, %max3A_406 : vector<16xf32>
        %swap3A_408 = arith.index_cast %scan3A_237 : i32 to index
        %swap3A_409 = arith.constant 112 : index
        %swap3A_410 = tpu.vector_load %arg23[%swap3A_408, %swap3A_409] {strides = array<i32>} : memref<40x128xf32, #tpu.memory_space<vmem>>, vector<1x16xf32>,
        %swap3A_411 = vector.shape_cast %swap3A_410 : vector<1x16xf32> to vector<16xf32>
        %swap3A_412 = vector.shape_cast %max3A_407 : vector<16xf32> to vector<1x16xf32>
        tpu.vector_store %arg23[%swap3A_408, %swap3A_409], %swap3A_412 {strides = array<i32>} : memref<40x128xf32, #tpu.memory_space<vmem>>, vector<1x16xf32>,
      }
      %scan3A_205 = arith.constant 40 : i32
      %get3A_206 = arith.constant 0 : index
      %get3A_207 = tpu.vector_load %arg15[%get3A_206] {strides = array<i32>} : memref<40xi32, #tpu.memory_space<vmem>>, vector<16xi32>,
      %get3A_208 = vector.shape_cast %get3A_207 : vector<16xi32> to vector<16xi32>
      %swap3A_209 = arith.constant 0 : index
      %swap3A_210 = tpu.vector_load %arg17[%swap3A_209] {strides = array<i32>} : memref<40xi32, #tpu.memory_space<vmem>>, vector<16xi32>,
      %swap3A_211 = vector.shape_cast %swap3A_210 : vector<16xi32> to vector<16xi32>
      %swap3A_212 = vector.shape_cast %get3A_208 : vector<16xi32> to vector<16xi32>
      tpu.vector_store %arg17[%swap3A_209], %swap3A_212 {strides = array<i32>} : memref<40xi32, #tpu.memory_space<vmem>>, vector<16xi32>,
      %get3A_213 = arith.constant 16 : index
      %get3A_214 = tpu.vector_load %arg15[%get3A_213] {strides = array<i32>} : memref<40xi32, #tpu.memory_space<vmem>>, vector<16xi32>,
      %get3A_215 = vector.shape_cast %get3A_214 : vector<16xi32> to vector<16xi32>
      %swap3A_216 = arith.constant 16 : index
      %swap3A_217 = tpu.vector_load %arg17[%swap3A_216] {strides = array<i32>} : memref<40xi32, #tpu.memory_space<vmem>>, vector<16xi32>,
      %swap3A_218 = vector.shape_cast %swap3A_217 : vector<16xi32> to vector<16xi32>
      %swap3A_219 = vector.shape_cast %get3A_215 : vector<16xi32> to vector<16xi32>
      tpu.vector_store %arg17[%swap3A_216], %swap3A_219 {strides = array<i32>} : memref<40xi32, #tpu.memory_space<vmem>>, vector<16xi32>,
      %get3A_220 = arith.constant 24 : index
      %get3A_221 = tpu.vector_load %arg15[%get3A_220] {strides = array<i32>} : memref<40xi32, #tpu.memory_space<vmem>>, vector<16xi32>,
      %get3A_222 = vector.shape_cast %get3A_221 : vector<16xi32> to vector<16xi32>
      %swap3A_223 = arith.constant 24 : index
      %swap3A_224 = tpu.vector_load %arg17[%swap3A_223] {strides = array<i32>} : memref<40xi32, #tpu.memory_space<vmem>>, vector<16xi32>,
      %swap3A_225 = vector.shape_cast %swap3A_224 : vector<16xi32> to vector<16xi32>
      %swap3A_226 = vector.shape_cast %get3A_222 : vector<16xi32> to vector<16xi32>
      tpu.vector_store %arg17[%swap3A_223], %swap3A_226 {strides = array<i32>} : memref<40xi32, #tpu.memory_space<vmem>>, vector<16xi32>,
      %dma_start3A_227 = arith.constant 0 : i32
      %dma_start3A_228 = arith.constant 0 : i32
      %dma_start3A_229 = tpu.memref_slice %arg11[%dma_start3A_227, %dma_start3A_228] : memref<10000x128xf32, #tpu.memory_space<vmem_shared>> -> memref<10000x128xf32, #tpu.memory_space<vmem_shared>>
      tpu.enqueue_indirect_dma source(%arg23 : memref<40x128xf32, #tpu.memory_space<vmem>>) target(%dma_start3A_229 : memref<10000x128xf32, #tpu.memory_space<vmem_shared>>) offsets(%arg17 : memref<40xi32, #tpu.memory_space<vmem>>) semaphore(%arg33 : memref<!tpu.dma_semaphore, #tpu.memory_space<semaphore_mem>>) {add = true}
      %add3A_230 = arith.constant 2 : i32
      %add3A_231 = arith.addi %add3A_164, %add3A_230 : i32
      %lt3A_232 = arith.constant 250 : i32
      %lt3A_233 = arith.cmpi slt, %add3A_231, %lt3A_232 : i32
      %convert_element_type3A_234 = arith.extui %lt3A_233 : i1 to i32
      %cond3A_235 = arith.constant 0 : i32
      %cond3A_236 = arith.cmpi ne, %convert_element_type3A_234, %cond3A_235 : i32
      scf.if %cond3A_236 {
        %add3A_237 = arith.constant 2 : i32
        %add3A_238 = arith.addi %add3A_164, %add3A_237 : i32
        %mul3A_239 = arith.constant 40 : i32
        %mul3A_240 = arith.muli %add3A_238, %mul3A_239 : i32
        %add3A_241 = arith.addi %mul3A_4, %mul3A_240 : i32
        %dma_start3A_242 = tpu.memref_slice %arg5[%add3A_241] : memref<320000xi32, #tpu.memory_space<hbm>> -> memref<40xi32, #tpu.memory_space<hbm>>
        %dma_start3A_243 = tpu.memref_slice %arg5[%add3A_241] : memref<320000xi32, #tpu.memory_space<hbm>> -> memref<40xi32, #tpu.memory_space<hbm>>
        tpu.enqueue_dma source(%dma_start3A_243 : memref<40xi32, #tpu.memory_space<hbm>>) target(%arg13 : memref<40xi32, #tpu.memory_space<vmem>>) target_semaphore(%arg31 : memref<!tpu.dma_semaphore, #tpu.memory_space<semaphore_mem>>)
        %dma_start3A_244 = tpu.memref_slice %arg6[%add3A_241] : memref<320000xi32, #tpu.memory_space<hbm>> -> memref<40xi32, #tpu.memory_space<hbm>>
        %dma_start3A_245 = tpu.memref_slice %arg6[%add3A_241] : memref<320000xi32, #tpu.memory_space<hbm>> -> memref<40xi32, #tpu.memory_space<hbm>>
        tpu.enqueue_dma source(%dma_start3A_245 : memref<40xi32, #tpu.memory_space<hbm>>) target(%arg15 : memref<40xi32, #tpu.memory_space<vmem>>) target_semaphore(%arg31 : memref<!tpu.dma_semaphore, #tpu.memory_space<semaphore_mem>>)
      } else {
      }
    }
    %scan3A_41 = arith.constant 125 : i32
    %dma_wait3A_42 = arith.constant 0 : i32
    %dma_wait3A_43 = arith.constant 0 : i32
    %dma_wait3A_44 = tpu.memref_slice %arg11[%dma_wait3A_42, %dma_wait3A_43] : memref<10000x128xf32, #tpu.memory_space<vmem_shared>> -> memref<10000x128xf32, #tpu.memory_space<vmem_shared>>
    tpu.wait_indirect_dma semaphore(%arg32 : memref<!tpu.dma_semaphore, #tpu.memory_space<semaphore_mem>>) src(%arg22 : memref<40x128xf32, #tpu.memory_space<vmem>>) dst(%dma_wait3A_44 : memref<10000x128xf32, #tpu.memory_space<vmem_shared>>)
    %dma_wait3A_45 = arith.constant 0 : i32
    %dma_wait3A_46 = arith.constant 0 : i32
    %dma_wait3A_47 = tpu.memref_slice %arg11[%dma_wait3A_45, %dma_wait3A_46] : memref<10000x128xf32, #tpu.memory_space<vmem_shared>> -> memref<10000x128xf32, #tpu.memory_space<vmem_shared>>
    tpu.wait_indirect_dma semaphore(%arg33 : memref<!tpu.dma_semaphore, #tpu.memory_space<semaphore_mem>>) src(%arg23 : memref<40x128xf32, #tpu.memory_space<vmem>>) dst(%dma_wait3A_47 : memref<10000x128xf32, #tpu.memory_space<vmem_shared>>)
    %barrier3A_48 = arith.constant 0 : index
    tpu.barrier barrier_id(%barrier3A_48)
    "tpu.region"() ({
      %run_scoped3A = tpu.sem_alloc : memref<!tpu.dma_semaphore, #tpu.memory_space<semaphore_mem>>
      %dma_start3A_89 = arith.constant 0 : i32
      %dma_start3A_90 = tpu.memref_slice %arg9[%arg0, %mul3A_2, %dma_start3A_89] : memref<2x10000x128xf32, #tpu.memory_space<hbm>> -> memref<1x624x128xf32, #tpu.memory_space<hbm>>
      %dma_start3A_91 = tpu.memref_squeeze %dma_start3A_90 : memref<1x624x128xf32, #tpu.memory_space<hbm>> -> memref<624x128xf32, #tpu.memory_space<hbm>>
      %dma_start3A_92 = arith.constant 0 : i32
      %dma_start3A_93 = tpu.memref_slice %arg11[%mul3A_2, %dma_start3A_92] : memref<10000x128xf32, #tpu.memory_space<vmem_shared>> -> memref<624x128xf32, #tpu.memory_space<vmem_shared>>
      tpu.enqueue_dma source(%dma_start3A_93 : memref<624x128xf32, #tpu.memory_space<vmem_shared>>) target(%dma_start3A_91 : memref<624x128xf32, #tpu.memory_space<hbm>>) target_semaphore(%run_scoped3A : memref<!tpu.dma_semaphore, #tpu.memory_space<semaphore_mem>>)
      %dma_wait3A_94 = arith.constant 0 : i32
      %dma_wait3A_95 = tpu.memref_slice %arg9[%arg0, %mul3A_2, %dma_wait3A_94] : memref<2x10000x128xf32, #tpu.memory_space<hbm>> -> memref<1x624x128xf32, #tpu.memory_space<hbm>>
      %dma_wait3A_96 = tpu.memref_squeeze %dma_wait3A_95 : memref<1x624x128xf32, #tpu.memory_space<hbm>> -> memref<624x128xf32, #tpu.memory_space<hbm>>
      %dma_wait3A_97 = arith.constant 0 : i32
      %dma_wait3A_98 = tpu.memref_slice %arg11[%mul3A_2, %dma_wait3A_97] : memref<10000x128xf32, #tpu.memory_space<vmem_shared>> -> memref<624x128xf32, #tpu.memory_space<vmem_shared>>
      tpu.wait_dma2 semaphore(%run_scoped3A : memref<!tpu.dma_semaphore, #tpu.memory_space<semaphore_mem>>) src(%dma_wait3A_98 : memref<624x128xf32, #tpu.memory_space<vmem_shared>>) dst(%dma_wait3A_96 : memref<624x128xf32, #tpu.memory_space<hbm>>)
      tpu.yield
    }) : () -> ()
    %eq3A_49 = arith.constant 15 : i32
    %eq3A_50 = arith.cmpi eq, %arg1, %eq3A_49 : i32
    %convert_element_type3A_51 = arith.extui %eq3A_50 : i1 to i32
    %cond3A_52 = arith.constant 0 : i32
    %cond3A_53 = arith.cmpi ne, %convert_element_type3A_51, %cond3A_52 : i32
    scf.if %cond3A_53 {
      "tpu.region"() ({
        %run_scoped3A = tpu.sem_alloc : memref<!tpu.dma_semaphore, #tpu.memory_space<semaphore_mem>>
        %dma_start3A_89 = arith.constant 9984 : i32
        %dma_start3A_90 = arith.constant 0 : i32
        %dma_start3A_91 = tpu.memref_slice %arg9[%arg0, %dma_start3A_89, %dma_start3A_90] : memref<2x10000x128xf32, #tpu.memory_space<hbm>> -> memref<1x16x128xf32, #tpu.memory_space<hbm>>
        %dma_start3A_92 = tpu.memref_squeeze %dma_start3A_91 : memref<1x16x128xf32, #tpu.memory_space<hbm>> -> memref<16x128xf32, #tpu.memory_space<hbm>>
        %dma_start3A_93 = arith.constant 9984 : i32
        %dma_start3A_94 = arith.constant 0 : i32
        %dma_start3A_95 = tpu.memref_slice %arg11[%dma_start3A_93, %dma_start3A_94] : memref<10000x128xf32, #tpu.memory_space<vmem_shared>> -> memref<16x128xf32, #tpu.memory_space<vmem_shared>>
        tpu.enqueue_dma source(%dma_start3A_95 : memref<16x128xf32, #tpu.memory_space<vmem_shared>>) target(%dma_start3A_92 : memref<16x128xf32, #tpu.memory_space<hbm>>) target_semaphore(%run_scoped3A : memref<!tpu.dma_semaphore, #tpu.memory_space<semaphore_mem>>)
        %dma_wait3A_96 = arith.constant 9984 : i32
        %dma_wait3A_97 = arith.constant 0 : i32
        %dma_wait3A_98 = tpu.memref_slice %arg9[%arg0, %dma_wait3A_96, %dma_wait3A_97] : memref<2x10000x128xf32, #tpu.memory_space<hbm>> -> memref<1x16x128xf32, #tpu.memory_space<hbm>>
        %dma_wait3A_99 = tpu.memref_squeeze %dma_wait3A_98 : memref<1x16x128xf32, #tpu.memory_space<hbm>> -> memref<16x128xf32, #tpu.memory_space<hbm>>
        %dma_wait3A_100 = arith.constant 9984 : i32
        %dma_wait3A_101 = arith.constant 0 : i32
        %dma_wait3A_102 = tpu.memref_slice %arg11[%dma_wait3A_100, %dma_wait3A_101] : memref<10000x128xf32, #tpu.memory_space<vmem_shared>> -> memref<16x128xf32, #tpu.memory_space<vmem_shared>>
        tpu.wait_dma2 semaphore(%run_scoped3A : memref<!tpu.dma_semaphore, #tpu.memory_space<semaphore_mem>>) src(%dma_wait3A_102 : memref<16x128xf32, #tpu.memory_space<vmem_shared>>) dst(%dma_wait3A_99 : memref<16x128xf32, #tpu.memory_space<hbm>>)
        tpu.yield
      }) : () -> ()
    } else {
    }
    %barrier3A_54 = arith.constant 0 : index
    tpu.barrier barrier_id(%barrier3A_54)
    "tpu.region"() ({
      %run_scoped3A = tpu.sem_alloc : memref<!tpu.dma_semaphore, #tpu.memory_space<semaphore_mem>>
      %dma_start3A_89 = arith.constant 0 : i32
      %dma_start3A_90 = tpu.memref_slice %arg11[%mul3A_2, %dma_start3A_89] : memref<10000x128xf32, #tpu.memory_space<vmem_shared>> -> memref<624x128xf32, #tpu.memory_space<vmem_shared>>
      %dma_start3A_91 = arith.constant 0 : i32
      %dma_start3A_92 = tpu.memref_slice %arg7[%mul3A_2, %dma_start3A_91] : memref<10000x128xf32, #tpu.memory_space<hbm>> -> memref<624x128xf32, #tpu.memory_space<hbm>>
      tpu.enqueue_dma source(%dma_start3A_92 : memref<624x128xf32, #tpu.memory_space<hbm>>) target(%dma_start3A_90 : memref<624x128xf32, #tpu.memory_space<vmem_shared>>) target_semaphore(%run_scoped3A : memref<!tpu.dma_semaphore, #tpu.memory_space<semaphore_mem>>)
      %dma_wait3A_93 = arith.constant 0 : i32
      %dma_wait3A_94 = tpu.memref_slice %arg11[%mul3A_2, %dma_wait3A_93] : memref<10000x128xf32, #tpu.memory_space<vmem_shared>> -> memref<624x128xf32, #tpu.memory_space<vmem_shared>>
      %dma_wait3A_95 = arith.constant 0 : i32
      %dma_wait3A_96 = tpu.memref_slice %arg7[%mul3A_2, %dma_wait3A_95] : memref<10000x128xf32, #tpu.memory_space<hbm>> -> memref<624x128xf32, #tpu.memory_space<hbm>>
      tpu.wait_dma2 semaphore(%run_scoped3A : memref<!tpu.dma_semaphore, #tpu.memory_space<semaphore_mem>>) src(%dma_wait3A_96 : memref<624x128xf32, #tpu.memory_space<hbm>>) dst(%dma_wait3A_94 : memref<624x128xf32, #tpu.memory_space<vmem_shared>>)
      tpu.yield
    }) : () -> ()
    %eq3A_55 = arith.constant 15 : i32
    %eq3A_56 = arith.cmpi eq, %arg1, %eq3A_55 : i32
    %convert_element_type3A_57 = arith.extui %eq3A_56 : i1 to i32
    %cond3A_58 = arith.constant 0 : i32
    %cond3A_59 = arith.cmpi ne, %convert_element_type3A_57, %cond3A_58 : i32
    scf.if %cond3A_59 {
      "tpu.region"() ({
        %run_scoped3A = tpu.sem_alloc : memref<!tpu.dma_semaphore, #tpu.memory_space<semaphore_mem>>
        %dma_start3A_89 = arith.constant 9984 : i32
        %dma_start3A_90 = arith.constant 0 : i32
        %dma_start3A_91 = tpu.memref_slice %arg11[%dma_start3A_89, %dma_start3A_90] : memref<10000x128xf32, #tpu.memory_space<vmem_shared>> -> memref<16x128xf32, #tpu.memory_space<vmem_shared>>
        %dma_start3A_92 = arith.constant 9984 : i32
        %dma_start3A_93 = arith.constant 0 : i32
        %dma_start3A_94 = tpu.memref_slice %arg7[%dma_start3A_92, %dma_start3A_93] : memref<10000x128xf32, #tpu.memory_space<hbm>> -> memref<16x128xf32, #tpu.memory_space<hbm>>
        tpu.enqueue_dma source(%dma_start3A_94 : memref<16x128xf32, #tpu.memory_space<hbm>>) target(%dma_start3A_91 : memref<16x128xf32, #tpu.memory_space<vmem_shared>>) target_semaphore(%run_scoped3A : memref<!tpu.dma_semaphore, #tpu.memory_space<semaphore_mem>>)
        %dma_wait3A_95 = arith.constant 9984 : i32
        %dma_wait3A_96 = arith.constant 0 : i32
        %dma_wait3A_97 = tpu.memref_slice %arg11[%dma_wait3A_95, %dma_wait3A_96] : memref<10000x128xf32, #tpu.memory_space<vmem_shared>> -> memref<16x128xf32, #tpu.memory_space<vmem_shared>>
        %dma_wait3A_98 = arith.constant 9984 : i32
        %dma_wait3A_99 = arith.constant 0 : i32
        %dma_wait3A_100 = tpu.memref_slice %arg7[%dma_wait3A_98, %dma_wait3A_99] : memref<10000x128xf32, #tpu.memory_space<hbm>> -> memref<16x128xf32, #tpu.memory_space<hbm>>
        tpu.wait_dma2 semaphore(%run_scoped3A : memref<!tpu.dma_semaphore, #tpu.memory_space<semaphore_mem>>) src(%dma_wait3A_100 : memref<16x128xf32, #tpu.memory_space<hbm>>) dst(%dma_wait3A_97 : memref<16x128xf32, #tpu.memory_space<vmem_shared>>)
        tpu.yield
      }) : () -> ()
    } else {
    }
    "tpu.region"() ({
      %run_scoped3A = tpu.sem_alloc : memref<!tpu.dma_semaphore, #tpu.memory_space<semaphore_mem>>
      tpu.enqueue_dma source(%arg8 : memref<40x128xf32, #tpu.memory_space<hbm>>) target(%arg22 : memref<40x128xf32, #tpu.memory_space<vmem>>) target_semaphore(%run_scoped3A : memref<!tpu.dma_semaphore, #tpu.memory_space<semaphore_mem>>)
      tpu.wait_dma2 semaphore(%run_scoped3A : memref<!tpu.dma_semaphore, #tpu.memory_space<semaphore_mem>>) src(%arg8 : memref<40x128xf32, #tpu.memory_space<hbm>>) dst(%arg22 : memref<40x128xf32, #tpu.memory_space<vmem>>)
      tpu.yield
    }) : () -> ()
    %barrier3A_60 = arith.constant 0 : index
    tpu.barrier barrier_id(%barrier3A_60)
    %add3A_61 = arith.constant 0 : i32
    %add3A_62 = arith.addi %mul3A_4, %add3A_61 : i32
    %dma_start3A_63 = tpu.memref_slice %arg6[%add3A_62] : memref<320000xi32, #tpu.memory_space<hbm>> -> memref<40xi32, #tpu.memory_space<hbm>>
    %dma_start3A_64 = tpu.memref_slice %arg6[%add3A_62] : memref<320000xi32, #tpu.memory_space<hbm>> -> memref<40xi32, #tpu.memory_space<hbm>>
    tpu.enqueue_dma source(%dma_start3A_64 : memref<40xi32, #tpu.memory_space<hbm>>) target(%arg14 : memref<40xi32, #tpu.memory_space<vmem>>) target_semaphore(%arg30 : memref<!tpu.dma_semaphore, #tpu.memory_space<semaphore_mem>>)
    %dma_wait3A_65 = tpu.memref_slice %arg6[%add3A_62] : memref<320000xi32, #tpu.memory_space<hbm>> -> memref<40xi32, #tpu.memory_space<hbm>>
    %dma_wait3A_66 = tpu.memref_slice %arg6[%add3A_62] : memref<320000xi32, #tpu.memory_space<hbm>> -> memref<40xi32, #tpu.memory_space<hbm>>
    tpu.wait_dma2 semaphore(%arg30 : memref<!tpu.dma_semaphore, #tpu.memory_space<semaphore_mem>>) src(%dma_wait3A_66 : memref<40xi32, #tpu.memory_space<hbm>>) dst(%arg14 : memref<40xi32, #tpu.memory_space<vmem>>)
    %add3A_67 = arith.constant 40 : i32
    %add3A_68 = arith.addi %mul3A_4, %add3A_67 : i32
    %dma_start3A_69 = tpu.memref_slice %arg6[%add3A_68] : memref<320000xi32, #tpu.memory_space<hbm>> -> memref<40xi32, #tpu.memory_space<hbm>>
    %dma_start3A_70 = tpu.memref_slice %arg6[%add3A_68] : memref<320000xi32, #tpu.memory_space<hbm>> -> memref<40xi32, #tpu.memory_space<hbm>>
    tpu.enqueue_dma source(%dma_start3A_70 : memref<40xi32, #tpu.memory_space<hbm>>) target(%arg15 : memref<40xi32, #tpu.memory_space<vmem>>) target_semaphore(%arg31 : memref<!tpu.dma_semaphore, #tpu.memory_space<semaphore_mem>>)
    %scan3A_71 = arith.constant 0 : i32
    %scan3A_72 = arith.constant 0 : i32
    %scan3A_73 = arith.constant 125 : i32
    %scan3A_74 = arith.addi %scan3A_72, %scan3A_73 : i32
    %scan3A_75 = arith.constant 1 : i32
    scf.for %scan3A_89 = %scan3A_72 to %scan3A_74 step %scan3A_75  : i32 {
      %mul3A_90 = arith.constant 2 : i32
      %mul3A_91 = arith.muli %mul3A_90, %scan3A_89 : i32
      %add3A_92 = arith.constant 0 : i32
      %add3A_93 = arith.addi %mul3A_91, %add3A_92 : i32
      %ge3A = arith.constant 2 : i32
      %ge3A_94 = arith.cmpi sge, %add3A_93, %ge3A : i32
      %convert_element_type3A_95 = arith.extui %ge3A_94 : i1 to i32
      %cond3A_96 = arith.constant 0 : i32
      %cond3A_97 = arith.cmpi ne, %convert_element_type3A_95, %cond3A_96 : i32
      scf.if %cond3A_97 {
        %dma_wait3A_180 = arith.constant 0 : i32
        %dma_wait3A_181 = arith.constant 0 : i32
        %dma_wait3A_182 = tpu.memref_slice %arg11[%dma_wait3A_180, %dma_wait3A_181] : memref<10000x128xf32, #tpu.memory_space<vmem_shared>> -> memref<10000x128xf32, #tpu.memory_space<vmem_shared>>
        tpu.wait_indirect_dma semaphore(%arg32 : memref<!tpu.dma_semaphore, #tpu.memory_space<semaphore_mem>>) src(%arg22 : memref<40x128xf32, #tpu.memory_space<vmem>>) dst(%dma_wait3A_182 : memref<10000x128xf32, #tpu.memory_space<vmem_shared>>)
      } else {
      }
      %get3A = arith.constant 0 : index
      %get3A_98 = tpu.vector_load %arg14[%get3A] {strides = array<i32>} : memref<40xi32, #tpu.memory_space<vmem>>, vector<16xi32>,
      %get3A_99 = vector.shape_cast %get3A_98 : vector<16xi32> to vector<16xi32>
      %swap3A = arith.constant 0 : index
      %swap3A_100 = tpu.vector_load %arg16[%swap3A] {strides = array<i32>} : memref<40xi32, #tpu.memory_space<vmem>>, vector<16xi32>,
      %swap3A_101 = vector.shape_cast %swap3A_100 : vector<16xi32> to vector<16xi32>
      %swap3A_102 = vector.shape_cast %get3A_99 : vector<16xi32> to vector<16xi32>
      tpu.vector_store %arg16[%swap3A], %swap3A_102 {strides = array<i32>} : memref<40xi32, #tpu.memory_space<vmem>>, vector<16xi32>,
      %get3A_103 = arith.constant 16 : index
      %get3A_104 = tpu.vector_load %arg14[%get3A_103] {strides = array<i32>} : memref<40xi32, #tpu.memory_space<vmem>>, vector<16xi32>,
      %get3A_105 = vector.shape_cast %get3A_104 : vector<16xi32> to vector<16xi32>
      %swap3A_106 = arith.constant 16 : index
      %swap3A_107 = tpu.vector_load %arg16[%swap3A_106] {strides = array<i32>} : memref<40xi32, #tpu.memory_space<vmem>>, vector<16xi32>,
      %swap3A_108 = vector.shape_cast %swap3A_107 : vector<16xi32> to vector<16xi32>
      %swap3A_109 = vector.shape_cast %get3A_105 : vector<16xi32> to vector<16xi32>
      tpu.vector_store %arg16[%swap3A_106], %swap3A_109 {strides = array<i32>} : memref<40xi32, #tpu.memory_space<vmem>>, vector<16xi32>,
      %get3A_110 = arith.constant 24 : index
      %get3A_111 = tpu.vector_load %arg14[%get3A_110] {strides = array<i32>} : memref<40xi32, #tpu.memory_space<vmem>>, vector<16xi32>,
      %get3A_112 = vector.shape_cast %get3A_111 : vector<16xi32> to vector<16xi32>
      %swap3A_113 = arith.constant 24 : index
      %swap3A_114 = tpu.vector_load %arg16[%swap3A_113] {strides = array<i32>} : memref<40xi32, #tpu.memory_space<vmem>>, vector<16xi32>,
      %swap3A_115 = vector.shape_cast %swap3A_114 : vector<16xi32> to vector<16xi32>
      %swap3A_116 = vector.shape_cast %get3A_112 : vector<16xi32> to vector<16xi32>
      tpu.vector_store %arg16[%swap3A_113], %swap3A_116 {strides = array<i32>} : memref<40xi32, #tpu.memory_space<vmem>>, vector<16xi32>,
      %dma_start3A_117 = arith.constant 0 : i32
      %dma_start3A_118 = arith.constant 0 : i32
      %dma_start3A_119 = tpu.memref_slice %arg11[%dma_start3A_117, %dma_start3A_118] : memref<10000x128xf32, #tpu.memory_space<vmem_shared>> -> memref<10000x128xf32, #tpu.memory_space<vmem_shared>>
      tpu.enqueue_indirect_dma source(%arg22 : memref<40x128xf32, #tpu.memory_space<vmem>>) target(%dma_start3A_119 : memref<10000x128xf32, #tpu.memory_space<vmem_shared>>) offsets(%arg16 : memref<40xi32, #tpu.memory_space<vmem>>) semaphore(%arg32 : memref<!tpu.dma_semaphore, #tpu.memory_space<semaphore_mem>>) {add = true}
      %add3A_120 = arith.constant 2 : i32
      %add3A_121 = arith.addi %add3A_93, %add3A_120 : i32
      %lt3A = arith.constant 250 : i32
      %lt3A_122 = arith.cmpi slt, %add3A_121, %lt3A : i32
      %convert_element_type3A_123 = arith.extui %lt3A_122 : i1 to i32
      %cond3A_124 = arith.constant 0 : i32
      %cond3A_125 = arith.cmpi ne, %convert_element_type3A_123, %cond3A_124 : i32
      scf.if %cond3A_125 {
        %add3A_180 = arith.constant 2 : i32
        %add3A_181 = arith.addi %add3A_93, %add3A_180 : i32
        %mul3A_182 = arith.constant 40 : i32
        %mul3A_183 = arith.muli %add3A_181, %mul3A_182 : i32
        %add3A_184 = arith.addi %mul3A_4, %mul3A_183 : i32
        %dma_start3A_185 = tpu.memref_slice %arg6[%add3A_184] : memref<320000xi32, #tpu.memory_space<hbm>> -> memref<40xi32, #tpu.memory_space<hbm>>
        %dma_start3A_186 = tpu.memref_slice %arg6[%add3A_184] : memref<320000xi32, #tpu.memory_space<hbm>> -> memref<40xi32, #tpu.memory_space<hbm>>
        tpu.enqueue_dma source(%dma_start3A_186 : memref<40xi32, #tpu.memory_space<hbm>>) target(%arg14 : memref<40xi32, #tpu.memory_space<vmem>>) target_semaphore(%arg30 : memref<!tpu.dma_semaphore, #tpu.memory_space<semaphore_mem>>)
      } else {
      }
      %add3A_126 = arith.constant 1 : i32
      %add3A_127 = arith.addi %add3A_93, %add3A_126 : i32
      %lt3A_128 = arith.constant 250 : i32
      %lt3A_129 = arith.cmpi slt, %add3A_127, %lt3A_128 : i32
      %convert_element_type3A_130 = arith.extui %lt3A_129 : i1 to i32
      %cond3A_131 = arith.constant 0 : i32
      %cond3A_132 = arith.cmpi ne, %convert_element_type3A_130, %cond3A_131 : i32
      scf.if %cond3A_132 {
        %dma_wait3A_180 = arith.constant 0 : i32
        %dma_wait3A_181 = tpu.memref_slice %arg6[%dma_wait3A_180] : memref<320000xi32, #tpu.memory_space<hbm>> -> memref<40xi32, #tpu.memory_space<hbm>>
        %dma_wait3A_182 = arith.constant 0 : i32
        %dma_wait3A_183 = tpu.memref_slice %arg6[%dma_wait3A_182] : memref<320000xi32, #tpu.memory_space<hbm>> -> memref<40xi32, #tpu.memory_space<hbm>>
        tpu.wait_dma2 semaphore(%arg31 : memref<!tpu.dma_semaphore, #tpu.memory_space<semaphore_mem>>) src(%dma_wait3A_183 : memref<40xi32, #tpu.memory_space<hbm>>) dst(%arg15 : memref<40xi32, #tpu.memory_space<vmem>>)
      } else {
      }
      %mul3A_133 = arith.constant 2 : i32
      %mul3A_134 = arith.muli %mul3A_133, %scan3A_89 : i32
      %add3A_135 = arith.constant 1 : i32
      %add3A_136 = arith.addi %mul3A_134, %add3A_135 : i32
      %ge3A_137 = arith.constant 2 : i32
      %ge3A_138 = arith.cmpi sge, %add3A_136, %ge3A_137 : i32
      %convert_element_type3A_139 = arith.extui %ge3A_138 : i1 to i32
      %cond3A_140 = arith.constant 0 : i32
      %cond3A_141 = arith.cmpi ne, %convert_element_type3A_139, %cond3A_140 : i32
      scf.if %cond3A_141 {
        %dma_wait3A_180 = arith.constant 0 : i32
        %dma_wait3A_181 = arith.constant 0 : i32
        %dma_wait3A_182 = tpu.memref_slice %arg11[%dma_wait3A_180, %dma_wait3A_181] : memref<10000x128xf32, #tpu.memory_space<vmem_shared>> -> memref<10000x128xf32, #tpu.memory_space<vmem_shared>>
        tpu.wait_indirect_dma semaphore(%arg33 : memref<!tpu.dma_semaphore, #tpu.memory_space<semaphore_mem>>) src(%arg22 : memref<40x128xf32, #tpu.memory_space<vmem>>) dst(%dma_wait3A_182 : memref<10000x128xf32, #tpu.memory_space<vmem_shared>>)
      } else {
      }
      %get3A_142 = arith.constant 0 : index
      %get3A_143 = tpu.vector_load %arg15[%get3A_142] {strides = array<i32>} : memref<40xi32, #tpu.memory_space<vmem>>, vector<16xi32>,
      %get3A_144 = vector.shape_cast %get3A_143 : vector<16xi32> to vector<16xi32>
      %swap3A_145 = arith.constant 0 : index
      %swap3A_146 = tpu.vector_load %arg17[%swap3A_145] {strides = array<i32>} : memref<40xi32, #tpu.memory_space<vmem>>, vector<16xi32>,
      %swap3A_147 = vector.shape_cast %swap3A_146 : vector<16xi32> to vector<16xi32>
      %swap3A_148 = vector.shape_cast %get3A_144 : vector<16xi32> to vector<16xi32>
      tpu.vector_store %arg17[%swap3A_145], %swap3A_148 {strides = array<i32>} : memref<40xi32, #tpu.memory_space<vmem>>, vector<16xi32>,
      %get3A_149 = arith.constant 16 : index
      %get3A_150 = tpu.vector_load %arg15[%get3A_149] {strides = array<i32>} : memref<40xi32, #tpu.memory_space<vmem>>, vector<16xi32>,
      %get3A_151 = vector.shape_cast %get3A_150 : vector<16xi32> to vector<16xi32>
      %swap3A_152 = arith.constant 16 : index
      %swap3A_153 = tpu.vector_load %arg17[%swap3A_152] {strides = array<i32>} : memref<40xi32, #tpu.memory_space<vmem>>, vector<16xi32>,
      %swap3A_154 = vector.shape_cast %swap3A_153 : vector<16xi32> to vector<16xi32>
      %swap3A_155 = vector.shape_cast %get3A_151 : vector<16xi32> to vector<16xi32>
      tpu.vector_store %arg17[%swap3A_152], %swap3A_155 {strides = array<i32>} : memref<40xi32, #tpu.memory_space<vmem>>, vector<16xi32>,
      %get3A_156 = arith.constant 24 : index
      %get3A_157 = tpu.vector_load %arg15[%get3A_156] {strides = array<i32>} : memref<40xi32, #tpu.memory_space<vmem>>, vector<16xi32>,
      %get3A_158 = vector.shape_cast %get3A_157 : vector<16xi32> to vector<16xi32>
      %swap3A_159 = arith.constant 24 : index
      %swap3A_160 = tpu.vector_load %arg17[%swap3A_159] {strides = array<i32>} : memref<40xi32, #tpu.memory_space<vmem>>, vector<16xi32>,
      %swap3A_161 = vector.shape_cast %swap3A_160 : vector<16xi32> to vector<16xi32>
      %swap3A_162 = vector.shape_cast %get3A_158 : vector<16xi32> to vector<16xi32>
      tpu.vector_store %arg17[%swap3A_159], %swap3A_162 {strides = array<i32>} : memref<40xi32, #tpu.memory_space<vmem>>, vector<16xi32>,
      %dma_start3A_163 = arith.constant 0 : i32
      %dma_start3A_164 = arith.constant 0 : i32
      %dma_start3A_165 = tpu.memref_slice %arg11[%dma_start3A_163, %dma_start3A_164] : memref<10000x128xf32, #tpu.memory_space<vmem_shared>> -> memref<10000x128xf32, #tpu.memory_space<vmem_shared>>
      tpu.enqueue_indirect_dma source(%arg22 : memref<40x128xf32, #tpu.memory_space<vmem>>) target(%dma_start3A_165 : memref<10000x128xf32, #tpu.memory_space<vmem_shared>>) offsets(%arg17 : memref<40xi32, #tpu.memory_space<vmem>>) semaphore(%arg33 : memref<!tpu.dma_semaphore, #tpu.memory_space<semaphore_mem>>) {add = true}
      %add3A_166 = arith.constant 2 : i32
      %add3A_167 = arith.addi %add3A_136, %add3A_166 : i32
      %lt3A_168 = arith.constant 250 : i32
      %lt3A_169 = arith.cmpi slt, %add3A_167, %lt3A_168 : i32
      %convert_element_type3A_170 = arith.extui %lt3A_169 : i1 to i32
      %cond3A_171 = arith.constant 0 : i32
      %cond3A_172 = arith.cmpi ne, %convert_element_type3A_170, %cond3A_171 : i32
      scf.if %cond3A_172 {
        %add3A_180 = arith.constant 2 : i32
        %add3A_181 = arith.addi %add3A_136, %add3A_180 : i32
        %mul3A_182 = arith.constant 40 : i32
        %mul3A_183 = arith.muli %add3A_181, %mul3A_182 : i32
        %add3A_184 = arith.addi %mul3A_4, %mul3A_183 : i32
        %dma_start3A_185 = tpu.memref_slice %arg6[%add3A_184] : memref<320000xi32, #tpu.memory_space<hbm>> -> memref<40xi32, #tpu.memory_space<hbm>>
        %dma_start3A_186 = tpu.memref_slice %arg6[%add3A_184] : memref<320000xi32, #tpu.memory_space<hbm>> -> memref<40xi32, #tpu.memory_space<hbm>>
        tpu.enqueue_dma source(%dma_start3A_186 : memref<40xi32, #tpu.memory_space<hbm>>) target(%arg15 : memref<40xi32, #tpu.memory_space<vmem>>) target_semaphore(%arg31 : memref<!tpu.dma_semaphore, #tpu.memory_space<semaphore_mem>>)
      } else {
      }
      %add3A_173 = arith.constant 1 : i32
      %add3A_174 = arith.addi %add3A_136, %add3A_173 : i32
      %lt3A_175 = arith.constant 250 : i32
      %lt3A_176 = arith.cmpi slt, %add3A_174, %lt3A_175 : i32
      %convert_element_type3A_177 = arith.extui %lt3A_176 : i1 to i32
      %cond3A_178 = arith.constant 0 : i32
      %cond3A_179 = arith.cmpi ne, %convert_element_type3A_177, %cond3A_178 : i32
      scf.if %cond3A_179 {
        %dma_wait3A_180 = arith.constant 0 : i32
        %dma_wait3A_181 = tpu.memref_slice %arg6[%dma_wait3A_180] : memref<320000xi32, #tpu.memory_space<hbm>> -> memref<40xi32, #tpu.memory_space<hbm>>
        %dma_wait3A_182 = arith.constant 0 : i32
        %dma_wait3A_183 = tpu.memref_slice %arg6[%dma_wait3A_182] : memref<320000xi32, #tpu.memory_space<hbm>> -> memref<40xi32, #tpu.memory_space<hbm>>
        tpu.wait_dma2 semaphore(%arg30 : memref<!tpu.dma_semaphore, #tpu.memory_space<semaphore_mem>>) src(%dma_wait3A_183 : memref<40xi32, #tpu.memory_space<hbm>>) dst(%arg14 : memref<40xi32, #tpu.memory_space<vmem>>)
      } else {
      }
    }
    %scan3A_76 = arith.constant 125 : i32
    %dma_wait3A_77 = arith.constant 0 : i32
    %dma_wait3A_78 = arith.constant 0 : i32
    %dma_wait3A_79 = tpu.memref_slice %arg11[%dma_wait3A_77, %dma_wait3A_78] : memref<10000x128xf32, #tpu.memory_space<vmem_shared>> -> memref<10000x128xf32, #tpu.memory_space<vmem_shared>>
    tpu.wait_indirect_dma semaphore(%arg32 : memref<!tpu.dma_semaphore, #tpu.memory_space<semaphore_mem>>) src(%arg22 : memref<40x128xf32, #tpu.memory_space<vmem>>) dst(%dma_wait3A_79 : memref<10000x128xf32, #tpu.memory_space<vmem_shared>>)
    %dma_wait3A_80 = arith.constant 0 : i32
    %dma_wait3A_81 = arith.constant 0 : i32
    %dma_wait3A_82 = tpu.memref_slice %arg11[%dma_wait3A_80, %dma_wait3A_81] : memref<10000x128xf32, #tpu.memory_space<vmem_shared>> -> memref<10000x128xf32, #tpu.memory_space<vmem_shared>>
    tpu.wait_indirect_dma semaphore(%arg33 : memref<!tpu.dma_semaphore, #tpu.memory_space<semaphore_mem>>) src(%arg22 : memref<40x128xf32, #tpu.memory_space<vmem>>) dst(%dma_wait3A_82 : memref<10000x128xf32, #tpu.memory_space<vmem_shared>>)
    %barrier3A_83 = arith.constant 0 : index
    tpu.barrier barrier_id(%barrier3A_83)
    "tpu.region"() ({
      %run_scoped3A = tpu.sem_alloc : memref<!tpu.dma_semaphore, #tpu.memory_space<semaphore_mem>>
      %dma_start3A_89 = arith.constant 0 : i32
      %dma_start3A_90 = tpu.memref_slice %arg10[%arg0, %mul3A_2, %dma_start3A_89] : memref<2x10000x128xf32, #tpu.memory_space<hbm>> -> memref<1x624x128xf32, #tpu.memory_space<hbm>>
      %dma_start3A_91 = tpu.memref_squeeze %dma_start3A_90 : memref<1x624x128xf32, #tpu.memory_space<hbm>> -> memref<624x128xf32, #tpu.memory_space<hbm>>
      %dma_start3A_92 = arith.constant 0 : i32
      %dma_start3A_93 = tpu.memref_slice %arg11[%mul3A_2, %dma_start3A_92] : memref<10000x128xf32, #tpu.memory_space<vmem_shared>> -> memref<624x128xf32, #tpu.memory_space<vmem_shared>>
      tpu.enqueue_dma source(%dma_start3A_93 : memref<624x128xf32, #tpu.memory_space<vmem_shared>>) target(%dma_start3A_91 : memref<624x128xf32, #tpu.memory_space<hbm>>) target_semaphore(%run_scoped3A : memref<!tpu.dma_semaphore, #tpu.memory_space<semaphore_mem>>)
      %dma_wait3A_94 = arith.constant 0 : i32
      %dma_wait3A_95 = tpu.memref_slice %arg10[%arg0, %mul3A_2, %dma_wait3A_94] : memref<2x10000x128xf32, #tpu.memory_space<hbm>> -> memref<1x624x128xf32, #tpu.memory_space<hbm>>
      %dma_wait3A_96 = tpu.memref_squeeze %dma_wait3A_95 : memref<1x624x128xf32, #tpu.memory_space<hbm>> -> memref<624x128xf32, #tpu.memory_space<hbm>>
      %dma_wait3A_97 = arith.constant 0 : i32
      %dma_wait3A_98 = tpu.memref_slice %arg11[%mul3A_2, %dma_wait3A_97] : memref<10000x128xf32, #tpu.memory_space<vmem_shared>> -> memref<624x128xf32, #tpu.memory_space<vmem_shared>>
      tpu.wait_dma2 semaphore(%run_scoped3A : memref<!tpu.dma_semaphore, #tpu.memory_space<semaphore_mem>>) src(%dma_wait3A_98 : memref<624x128xf32, #tpu.memory_space<vmem_shared>>) dst(%dma_wait3A_96 : memref<624x128xf32, #tpu.memory_space<hbm>>)
      tpu.yield
    }) : () -> ()
    %eq3A_84 = arith.constant 15 : i32
    %eq3A_85 = arith.cmpi eq, %arg1, %eq3A_84 : i32
    %convert_element_type3A_86 = arith.extui %eq3A_85 : i1 to i32
    %cond3A_87 = arith.constant 0 : i32
    %cond3A_88 = arith.cmpi ne, %convert_element_type3A_86, %cond3A_87 : i32
    scf.if %cond3A_88 {
      "tpu.region"() ({
        %run_scoped3A = tpu.sem_alloc : memref<!tpu.dma_semaphore, #tpu.memory_space<semaphore_mem>>
        %dma_start3A_89 = arith.constant 9984 : i32
        %dma_start3A_90 = arith.constant 0 : i32
        %dma_start3A_91 = tpu.memref_slice %arg10[%arg0, %dma_start3A_89, %dma_start3A_90] : memref<2x10000x128xf32, #tpu.memory_space<hbm>> -> memref<1x16x128xf32, #tpu.memory_space<hbm>>
        %dma_start3A_92 = tpu.memref_squeeze %dma_start3A_91 : memref<1x16x128xf32, #tpu.memory_space<hbm>> -> memref<16x128xf32, #tpu.memory_space<hbm>>
        %dma_start3A_93 = arith.constant 9984 : i32
        %dma_start3A_94 = arith.constant 0 : i32
        %dma_start3A_95 = tpu.memref_slice %arg11[%dma_start3A_93, %dma_start3A_94] : memref<10000x128xf32, #tpu.memory_space<vmem_shared>> -> memref<16x128xf32, #tpu.memory_space<vmem_shared>>
        tpu.enqueue_dma source(%dma_start3A_95 : memref<16x128xf32, #tpu.memory_space<vmem_shared>>) target(%dma_start3A_92 : memref<16x128xf32, #tpu.memory_space<hbm>>) target_semaphore(%run_scoped3A : memref<!tpu.dma_semaphore, #tpu.memory_space<semaphore_mem>>)
        %dma_wait3A_96 = arith.constant 9984 : i32
        %dma_wait3A_97 = arith.constant 0 : i32
        %dma_wait3A_98 = tpu.memref_slice %arg10[%arg0, %dma_wait3A_96, %dma_wait3A_97] : memref<2x10000x128xf32, #tpu.memory_space<hbm>> -> memref<1x16x128xf32, #tpu.memory_space<hbm>>
        %dma_wait3A_99 = tpu.memref_squeeze %dma_wait3A_98 : memref<1x16x128xf32, #tpu.memory_space<hbm>> -> memref<16x128xf32, #tpu.memory_space<hbm>>
        %dma_wait3A_100 = arith.constant 9984 : i32
        %dma_wait3A_101 = arith.constant 0 : i32
        %dma_wait3A_102 = tpu.memref_slice %arg11[%dma_wait3A_100, %dma_wait3A_101] : memref<10000x128xf32, #tpu.memory_space<vmem_shared>> -> memref<16x128xf32, #tpu.memory_space<vmem_shared>>
        tpu.wait_dma2 semaphore(%run_scoped3A : memref<!tpu.dma_semaphore, #tpu.memory_space<semaphore_mem>>) src(%dma_wait3A_102 : memref<16x128xf32, #tpu.memory_space<vmem_shared>>) dst(%dma_wait3A_99 : memref<16x128xf32, #tpu.memory_space<hbm>>)
        tpu.yield
      }) : () -> ()
    } else {
    }
    return
  }
}

module attributes {stable_mosaic.version = 14 : i64} {
  func.func @_edge_term_body(%arg0: i32, %arg1: memref<4000x16xf32, #tpu.memory_space<vmem>>, %arg2: memref<16x128xf32, #tpu.memory_space<vmem>>, %arg3: memref<1x128xf32, #tpu.memory_space<vmem>>, %arg4: memref<4000x128xf32, #tpu.memory_space<vmem>>) attributes {dimension_semantics = [#tpu.dimension_semantics<arbitrary>], iteration_bounds = array<i64: 80>, scalar_prefetch = 0 : i64, scratch_operands = 0 : i64, tpu.core_type = #tpu.core_type<tc>, window_params = [{transform_indices = @transform_0, window_bounds = array<i64: 4000, 16>}, {pipeline_mode = #tpu.pipeline_mode<synchronous>, transform_indices = @transform_1, window_bounds = array<i64: 16, 128>}, {pipeline_mode = #tpu.pipeline_mode<synchronous>, transform_indices = @transform_2, window_bounds = array<i64: 1, 128>}, {transform_indices = @transform_3, window_bounds = array<i64: 4000, 128>}]} {
    %get3A = arith.constant 0 : index
    %get3A_0 = arith.constant 0 : index
    %get3A_1 = vector.load %arg1[%get3A, %get3A_0] : memref<4000x16xf32, #tpu.memory_space<vmem>>, vector<4000x16xf32>
    %get3A_2 = arith.constant 0 : index
    %get3A_3 = arith.constant 0 : index
    %get3A_4 = vector.load %arg2[%get3A_2, %get3A_3] : memref<16x128xf32, #tpu.memory_space<vmem>>, vector<16x128xf32>
    %dot_general3A = arith.constant dense<0.000000e+00> : vector<4000x128xf32>
    %dot_general3A_5 = tpu.matmul %get3A_1, %get3A_4, %dot_general3A {dimension_numbers = #tpu.dot_dimension_numbers<[1], [0], [0], [1], [0, 0, 1, 1], [], []>, transpose_lhs_hint = false} : vector<4000x16xf32>, vector<16x128xf32>, vector<4000x128xf32> -> vector<4000x128xf32>
    %get3A_6 = arith.constant 0 : index
    %get3A_7 = arith.constant 0 : index
    %get3A_8 = vector.load %arg3[%get3A_6, %get3A_7] : memref<1x128xf32, #tpu.memory_space<vmem>>, vector<1x128xf32>
    %add3A = vector.broadcast %get3A_8 : vector<1x128xf32> to vector<4000x128xf32>
    %add3A_9 = arith.addf %dot_general3A_5, %add3A : vector<4000x128xf32>
    %swap3A = arith.constant 0 : index
    %swap3A_10 = arith.constant 0 : index
    %swap3A_11 = vector.load %arg4[%swap3A, %swap3A_10] : memref<4000x128xf32, #tpu.memory_space<vmem>>, vector<4000x128xf32>
    tpu.vector_store %arg4[%swap3A, %swap3A_10], %add3A_9 {strides = array<i32>} : memref<4000x128xf32, #tpu.memory_space<vmem>>, vector<4000x128xf32>,
    return
  }
  func.func @transform_0(%arg0: i32) -> (i32, i32) {
    %c0_i32 = arith.constant 0 : i32
    %c0_i32_0 = arith.constant 0 : i32
    return %arg0, %c0_i32 : i32, i32
  }
  func.func @transform_1(%arg0: i32) -> (i32, i32) {
    %c0_i32 = arith.constant 0 : i32
    %c0_i32_0 = arith.constant 0 : i32
    %c0_i32_1 = arith.constant 0 : i32
    return %c0_i32, %c0_i32_0 : i32, i32
  }
  func.func @transform_2(%arg0: i32) -> (i32, i32) {
    %c0_i32 = arith.constant 0 : i32
    %c0_i32_0 = arith.constant 0 : i32
    %c0_i32_1 = arith.constant 0 : i32
    return %c0_i32, %c0_i32_0 : i32, i32
  }
  func.func @transform_3(%arg0: i32) -> (i32, i32) {
    %c0_i32 = arith.constant 0 : i32
    %c0_i32_0 = arith.constant 0 : i32
    return %arg0, %c0_i32 : i32, i32
  }
}

module attributes {stable_mosaic.version = 14 : i64} {
  func.func @_node_proj_body(%arg0: i32, %arg1: memref<1000x128xf32, #tpu.memory_space<vmem>>, %arg2: memref<128x128xf32, #tpu.memory_space<vmem>>, %arg3: memref<1x128xf32, #tpu.memory_space<vmem>>, %arg4: memref<128x128xf32, #tpu.memory_space<vmem>>, %arg5: memref<128x128xf32, #tpu.memory_space<vmem>>, %arg6: memref<1000x128xf32, #tpu.memory_space<vmem>>, %arg7: memref<1000x128xf32, #tpu.memory_space<vmem>>, %arg8: memref<1000x128xf32, #tpu.memory_space<vmem>>) attributes {dimension_semantics = [#tpu.dimension_semantics<arbitrary>], iteration_bounds = array<i64: 10>, scalar_prefetch = 0 : i64, scratch_operands = 0 : i64, tpu.core_type = #tpu.core_type<tc>, window_params = [{transform_indices = @transform_0, window_bounds = array<i64: 1000, 128>}, {pipeline_mode = #tpu.pipeline_mode<synchronous>, transform_indices = @transform_1, window_bounds = array<i64: 128, 128>}, {pipeline_mode = #tpu.pipeline_mode<synchronous>, transform_indices = @transform_2, window_bounds = array<i64: 1, 128>}, {pipeline_mode = #tpu.pipeline_mode<synchronous>, transform_indices = @transform_3, window_bounds = array<i64: 128, 128>}, {pipeline_mode = #tpu.pipeline_mode<synchronous>, transform_indices = @transform_4, window_bounds = array<i64: 128, 128>}, {transform_indices = @transform_5, window_bounds = array<i64: 1000, 128>}, {transform_indices = @transform_6, window_bounds = array<i64: 1000, 128>}, {transform_indices = @transform_7, window_bounds = array<i64: 1000, 128>}]} {
    %get3A = arith.constant 0 : index
    %get3A_0 = arith.constant 0 : index
    %get3A_1 = vector.load %arg1[%get3A, %get3A_0] : memref<1000x128xf32, #tpu.memory_space<vmem>>, vector<1000x128xf32>
    %get3A_2 = arith.constant 0 : index
    %get3A_3 = arith.constant 0 : index
    %get3A_4 = vector.load %arg2[%get3A_2, %get3A_3] : memref<128x128xf32, #tpu.memory_space<vmem>>, vector<128x128xf32>
    %dot_general3A = arith.constant dense<0.000000e+00> : vector<1000x128xf32>
    %dot_general3A_5 = tpu.matmul %get3A_1, %get3A_4, %dot_general3A {dimension_numbers = #tpu.dot_dimension_numbers<[1], [0], [0], [1], [0, 0, 1, 1], [], []>, transpose_lhs_hint = false} : vector<1000x128xf32>, vector<128x128xf32>, vector<1000x128xf32> -> vector<1000x128xf32>
    %get3A_6 = arith.constant 0 : index
    %get3A_7 = arith.constant 0 : index
    %get3A_8 = vector.load %arg3[%get3A_6, %get3A_7] : memref<1x128xf32, #tpu.memory_space<vmem>>, vector<1x128xf32>
    %add3A = vector.broadcast %get3A_8 : vector<1x128xf32> to vector<1000x128xf32>
    %add3A_9 = arith.addf %dot_general3A_5, %add3A : vector<1000x128xf32>
    %tanh3A = math.tanh %add3A_9 : vector<1000x128xf32>
    %swap3A = arith.constant 0 : index
    %swap3A_10 = arith.constant 0 : index
    %swap3A_11 = vector.load %arg6[%swap3A, %swap3A_10] : memref<1000x128xf32, #tpu.memory_space<vmem>>, vector<1000x128xf32>
    tpu.vector_store %arg6[%swap3A, %swap3A_10], %tanh3A {strides = array<i32>} : memref<1000x128xf32, #tpu.memory_space<vmem>>, vector<1000x128xf32>,
    %get3A_12 = arith.constant 0 : index
    %get3A_13 = arith.constant 0 : index
    %get3A_14 = vector.load %arg4[%get3A_12, %get3A_13] : memref<128x128xf32, #tpu.memory_space<vmem>>, vector<128x128xf32>
    %dot_general3A_15 = arith.constant dense<0.000000e+00> : vector<1000x128xf32>
    %dot_general3A_16 = tpu.matmul %tanh3A, %get3A_14, %dot_general3A_15 {dimension_numbers = #tpu.dot_dimension_numbers<[1], [0], [0], [1], [0, 0, 1, 1], [], []>, transpose_lhs_hint = false} : vector<1000x128xf32>, vector<128x128xf32>, vector<1000x128xf32> -> vector<1000x128xf32>
    %swap3A_17 = arith.constant 0 : index
    %swap3A_18 = arith.constant 0 : index
    %swap3A_19 = vector.load %arg7[%swap3A_17, %swap3A_18] : memref<1000x128xf32, #tpu.memory_space<vmem>>, vector<1000x128xf32>
    tpu.vector_store %arg7[%swap3A_17, %swap3A_18], %dot_general3A_16 {strides = array<i32>} : memref<1000x128xf32, #tpu.memory_space<vmem>>, vector<1000x128xf32>,
    %get3A_20 = arith.constant 0 : index
    %get3A_21 = arith.constant 0 : index
    %get3A_22 = vector.load %arg5[%get3A_20, %get3A_21] : memref<128x128xf32, #tpu.memory_space<vmem>>, vector<128x128xf32>
    %dot_general3A_23 = arith.constant dense<0.000000e+00> : vector<1000x128xf32>
    %dot_general3A_24 = tpu.matmul %tanh3A, %get3A_22, %dot_general3A_23 {dimension_numbers = #tpu.dot_dimension_numbers<[1], [0], [0], [1], [0, 0, 1, 1], [], []>, transpose_lhs_hint = false} : vector<1000x128xf32>, vector<128x128xf32>, vector<1000x128xf32> -> vector<1000x128xf32>
    %swap3A_25 = arith.constant 0 : index
    %swap3A_26 = arith.constant 0 : index
    %swap3A_27 = vector.load %arg8[%swap3A_25, %swap3A_26] : memref<1000x128xf32, #tpu.memory_space<vmem>>, vector<1000x128xf32>
    tpu.vector_store %arg8[%swap3A_25, %swap3A_26], %dot_general3A_24 {strides = array<i32>} : memref<1000x128xf32, #tpu.memory_space<vmem>>, vector<1000x128xf32>,
    return
  }
  func.func @transform_0(%arg0: i32) -> (i32, i32) {
    %c0_i32 = arith.constant 0 : i32
    %c0_i32_0 = arith.constant 0 : i32
    return %arg0, %c0_i32 : i32, i32
  }
  func.func @transform_1(%arg0: i32) -> (i32, i32) {
    %c0_i32 = arith.constant 0 : i32
    %c0_i32_0 = arith.constant 0 : i32
    %c0_i32_1 = arith.constant 0 : i32
    return %c0_i32, %c0_i32_0 : i32, i32
  }
  func.func @transform_2(%arg0: i32) -> (i32, i32) {
    %c0_i32 = arith.constant 0 : i32
    %c0_i32_0 = arith.constant 0 : i32
    %c0_i32_1 = arith.constant 0 : i32
    return %c0_i32, %c0_i32_0 : i32, i32
  }
  func.func @transform_3(%arg0: i32) -> (i32, i32) {
    %c0_i32 = arith.constant 0 : i32
    %c0_i32_0 = arith.constant 0 : i32
    %c0_i32_1 = arith.constant 0 : i32
    return %c0_i32, %c0_i32_0 : i32, i32
  }
  func.func @transform_4(%arg0: i32) -> (i32, i32) {
    %c0_i32 = arith.constant 0 : i32
    %c0_i32_0 = arith.constant 0 : i32
    %c0_i32_1 = arith.constant 0 : i32
    return %c0_i32, %c0_i32_0 : i32, i32
  }
  func.func @transform_5(%arg0: i32) -> (i32, i32) {
    %c0_i32 = arith.constant 0 : i32
    %c0_i32_0 = arith.constant 0 : i32
    return %arg0, %c0_i32 : i32, i32
  }
  func.func @transform_6(%arg0: i32) -> (i32, i32) {
    %c0_i32 = arith.constant 0 : i32
    %c0_i32_0 = arith.constant 0 : i32
    return %arg0, %c0_i32 : i32, i32
  }
  func.func @transform_7(%arg0: i32) -> (i32, i32) {
    %c0_i32 = arith.constant 0 : i32
    %c0_i32_0 = arith.constant 0 : i32
    return %arg0, %c0_i32 : i32, i32
  }
}

module attributes {stable_mosaic.version = 14 : i64} {
  func.func @_finalize_body(%arg0: i32, %arg1: memref<1000x128xf32, #tpu.memory_space<vmem>>, %arg2: memref<1000x128xf32, #tpu.memory_space<vmem>>, %arg3: memref<1000x128xf32, #tpu.memory_space<vmem>>, %arg4: memref<1000x128xf32, #tpu.memory_space<vmem>>, %arg5: memref<1000x128xf32, #tpu.memory_space<vmem>>, %arg6: memref<128x128xf32, #tpu.memory_space<vmem>>, %arg7: memref<1x128xf32, #tpu.memory_space<vmem>>, %arg8: memref<128x128xf32, #tpu.memory_space<vmem>>, %arg9: memref<1x128xf32, #tpu.memory_space<vmem>>, %arg10: memref<128x128xf32, #tpu.memory_space<vmem>>, %arg11: memref<128x128xf32, #tpu.memory_space<vmem>>, %arg12: memref<1x128xf32, #tpu.memory_space<vmem>>, %arg13: memref<128x128xf32, #tpu.memory_space<vmem>>, %arg14: memref<128x128xf32, #tpu.memory_space<vmem>>, %arg15: memref<1x128xf32, #tpu.memory_space<vmem>>, %arg16: memref<128x128xf32, #tpu.memory_space<vmem>>, %arg17: memref<128x128xf32, #tpu.memory_space<vmem>>, %arg18: memref<1x128xf32, #tpu.memory_space<vmem>>, %arg19: memref<128x128xf32, #tpu.memory_space<vmem>>, %arg20: memref<1x128xf32, #tpu.memory_space<vmem>>, %arg21: memref<1000x128xf32, #tpu.memory_space<vmem>>) attributes {dimension_semantics = [#tpu.dimension_semantics<arbitrary>], iteration_bounds = array<i64: 10>, scalar_prefetch = 0 : i64, scratch_operands = 0 : i64, tpu.core_type = #tpu.core_type<tc>, window_params = [{transform_indices = @transform_0, window_bounds = array<i64: 1000, 128>}, {transform_indices = @transform_1, window_bounds = array<i64: 1000, 128>}, {transform_indices = @transform_2, window_bounds = array<i64: 1000, 128>}, {transform_indices = @transform_3, window_bounds = array<i64: 1000, 128>}, {transform_indices = @transform_4, window_bounds = array<i64: 1000, 128>}, {pipeline_mode = #tpu.pipeline_mode<synchronous>, transform_indices = @transform_5, window_bounds = array<i64: 128, 128>}, {pipeline_mode = #tpu.pipeline_mode<synchronous>, transform_indices = @transform_6, window_bounds = array<i64: 1, 128>}, {pipeline_mode = #tpu.pipeline_mode<synchronous>, transform_indices = @transform_7, window_bounds = array<i64: 128, 128>}, {pipeline_mode = #tpu.pipeline_mode<synchronous>, transform_indices = @transform_8, window_bounds = array<i64: 1, 128>}, {pipeline_mode = #tpu.pipeline_mode<synchronous>, transform_indices = @transform_9, window_bounds = array<i64: 128, 128>}, {pipeline_mode = #tpu.pipeline_mode<synchronous>, transform_indices = @transform_10, window_bounds = array<i64: 128, 128>}, {pipeline_mode = #tpu.pipeline_mode<synchronous>, transform_indices = @transform_11, window_bounds = array<i64: 1, 128>}, {pipeline_mode = #tpu.pipeline_mode<synchronous>, transform_indices = @transform_12, window_bounds = array<i64: 128, 128>}, {pipeline_mode = #tpu.pipeline_mode<synchronous>, transform_indices = @transform_13, window_bounds = array<i64: 128, 128>}, {pipeline_mode = #tpu.pipeline_mode<synchronous>, transform_indices = @transform_14, window_bounds = array<i64: 1, 128>}, {pipeline_mode = #tpu.pipeline_mode<synchronous>, transform_indices = @transform_15, window_bounds = array<i64: 128, 128>}, {pipeline_mode = #tpu.pipeline_mode<synchronous>, transform_indices = @transform_16, window_bounds = array<i64: 128, 128>}, {pipeline_mode = #tpu.pipeline_mode<synchronous>, transform_indices = @transform_17, window_bounds = array<i64: 1, 128>}, {pipeline_mode = #tpu.pipeline_mode<synchronous>, transform_indices = @transform_18, window_bounds = array<i64: 128, 128>}, {pipeline_mode = #tpu.pipeline_mode<synchronous>, transform_indices = @transform_19, window_bounds = array<i64: 1, 128>}, {transform_indices = @transform_20, window_bounds = array<i64: 1000, 128>}]} {
    %get3A = arith.constant 0 : index
    %get3A_0 = arith.constant 0 : index
    %get3A_1 = vector.load %arg1[%get3A, %get3A_0] : memref<1000x128xf32, #tpu.memory_space<vmem>>, vector<1000x128xf32>
    %get3A_2 = arith.constant 0 : index
    %get3A_3 = arith.constant 0 : index
    %get3A_4 = vector.load %arg2[%get3A_2, %get3A_3] : memref<1000x128xf32, #tpu.memory_space<vmem>>, vector<1000x128xf32>
    %add3A = arith.addf %get3A_1, %get3A_4 : vector<1000x128xf32>
    %get3A_5 = arith.constant 0 : index
    %get3A_6 = arith.constant 0 : index
    %get3A_7 = vector.load %arg3[%get3A_5, %get3A_6] : memref<1000x128xf32, #tpu.memory_space<vmem>>, vector<1000x128xf32>
    %slice3A = vector.extract_strided_slice %get3A_7 {offsets = [0, 0], sizes = [1000, 1], strides = [1, 1]} : vector<1000x128xf32> to vector<1000x1xf32>
    %get3A_8 = arith.constant 0 : index
    %get3A_9 = arith.constant 0 : index
    %get3A_10 = vector.load %arg4[%get3A_8, %get3A_9] : memref<1000x128xf32, #tpu.memory_space<vmem>>, vector<1000x128xf32>
    %slice3A_11 = vector.extract_strided_slice %get3A_10 {offsets = [0, 0], sizes = [1000, 1], strides = [1, 1]} : vector<1000x128xf32> to vector<1000x1xf32>
    %add3A_12 = arith.addf %slice3A, %slice3A_11 : vector<1000x1xf32>
    %get3A_13 = arith.constant 0 : index
    %get3A_14 = arith.constant 0 : index
    %get3A_15 = vector.load %arg6[%get3A_13, %get3A_14] : memref<128x128xf32, #tpu.memory_space<vmem>>, vector<128x128xf32>
    %dot_general3A = arith.constant dense<0.000000e+00> : vector<1000x128xf32>
    %dot_general3A_16 = tpu.matmul %add3A, %get3A_15, %dot_general3A {dimension_numbers = #tpu.dot_dimension_numbers<[1], [0], [0], [1], [0, 0, 1, 1], [], []>, transpose_lhs_hint = false} : vector<1000x128xf32>, vector<128x128xf32>, vector<1000x128xf32> -> vector<1000x128xf32>
    %get3A_17 = arith.constant 0 : index
    %get3A_18 = arith.constant 0 : index
    %get3A_19 = vector.load %arg7[%get3A_17, %get3A_18] : memref<1x128xf32, #tpu.memory_space<vmem>>, vector<1x128xf32>
    %mul3A = vector.broadcast %add3A_12 : vector<1000x1xf32> to vector<1000x128xf32>
    %mul3A_20 = vector.broadcast %get3A_19 : vector<1x128xf32> to vector<1000x128xf32>
    %mul3A_21 = arith.mulf %mul3A, %mul3A_20 : vector<1000x128xf32>
    %add3A_22 = arith.addf %dot_general3A_16, %mul3A_21 : vector<1000x128xf32>
    %max3A = arith.constant 1.000000e+00 : f32
    %max3A_23 = vector.broadcast %max3A : f32 to vector<1000x1xf32>
    %max3A_24 = arith.maximumf %add3A_12, %max3A_23 : vector<1000x1xf32>
    %div3A = vector.broadcast %max3A_24 : vector<1000x1xf32> to vector<1000x128xf32>
    %div3A_25 = arith.divf %add3A_22, %div3A : vector<1000x128xf32>
    %get3A_26 = arith.constant 0 : index
    %get3A_27 = arith.constant 0 : index
    %get3A_28 = vector.load %arg8[%get3A_26, %get3A_27] : memref<128x128xf32, #tpu.memory_space<vmem>>, vector<128x128xf32>
    %dot_general3A_29 = arith.constant dense<0.000000e+00> : vector<1000x128xf32>
    %dot_general3A_30 = tpu.matmul %div3A_25, %get3A_28, %dot_general3A_29 {dimension_numbers = #tpu.dot_dimension_numbers<[1], [0], [0], [1], [0, 0, 1, 1], [], []>, transpose_lhs_hint = false} : vector<1000x128xf32>, vector<128x128xf32>, vector<1000x128xf32> -> vector<1000x128xf32>
    %get3A_31 = arith.constant 0 : index
    %get3A_32 = arith.constant 0 : index
    %get3A_33 = vector.load %arg9[%get3A_31, %get3A_32] : memref<1x128xf32, #tpu.memory_space<vmem>>, vector<1x128xf32>
    %add3A_34 = vector.broadcast %get3A_33 : vector<1x128xf32> to vector<1000x128xf32>
    %add3A_35 = arith.addf %dot_general3A_30, %add3A_34 : vector<1000x128xf32>
    %get3A_36 = arith.constant 0 : index
    %get3A_37 = arith.constant 0 : index
    %get3A_38 = vector.load %arg5[%get3A_36, %get3A_37] : memref<1000x128xf32, #tpu.memory_space<vmem>>, vector<1000x128xf32>
    %get3A_39 = arith.constant 0 : index
    %get3A_40 = arith.constant 0 : index
    %get3A_41 = vector.load %arg10[%get3A_39, %get3A_40] : memref<128x128xf32, #tpu.memory_space<vmem>>, vector<128x128xf32>
    %dot_general3A_42 = arith.constant dense<0.000000e+00> : vector<1000x128xf32>
    %dot_general3A_43 = tpu.matmul %add3A_35, %get3A_41, %dot_general3A_42 {dimension_numbers = #tpu.dot_dimension_numbers<[1], [0], [0], [1], [0, 0, 1, 1], [], []>, transpose_lhs_hint = false} : vector<1000x128xf32>, vector<128x128xf32>, vector<1000x128xf32> -> vector<1000x128xf32>
    %get3A_44 = arith.constant 0 : index
    %get3A_45 = arith.constant 0 : index
    %get3A_46 = vector.load %arg11[%get3A_44, %get3A_45] : memref<128x128xf32, #tpu.memory_space<vmem>>, vector<128x128xf32>
    %dot_general3A_47 = arith.constant dense<0.000000e+00> : vector<1000x128xf32>
    %dot_general3A_48 = tpu.matmul %get3A_38, %get3A_46, %dot_general3A_47 {dimension_numbers = #tpu.dot_dimension_numbers<[1], [0], [0], [1], [0, 0, 1, 1], [], []>, transpose_lhs_hint = false} : vector<1000x128xf32>, vector<128x128xf32>, vector<1000x128xf32> -> vector<1000x128xf32>
    %add3A_49 = arith.addf %dot_general3A_43, %dot_general3A_48 : vector<1000x128xf32>
    %get3A_50 = arith.constant 0 : index
    %get3A_51 = arith.constant 0 : index
    %get3A_52 = vector.load %arg12[%get3A_50, %get3A_51] : memref<1x128xf32, #tpu.memory_space<vmem>>, vector<1x128xf32>
    %add3A_53 = vector.broadcast %get3A_52 : vector<1x128xf32> to vector<1000x128xf32>
    %add3A_54 = arith.addf %add3A_49, %add3A_53 : vector<1000x128xf32>
    %logistic3A = arith.negf %add3A_54 : vector<1000x128xf32>
    %logistic3A_55 = math.exp %logistic3A : vector<1000x128xf32>
    %logistic3A_56 = arith.constant 1.000000e+00 : f32
    %logistic3A_57 = vector.broadcast %logistic3A_56 : f32 to vector<1000x128xf32>
    %logistic3A_58 = arith.addf %logistic3A_57, %logistic3A_55 : vector<1000x128xf32>
    %logistic3A_59 = arith.divf %logistic3A_57, %logistic3A_58 : vector<1000x128xf32>
    %get3A_60 = arith.constant 0 : index
    %get3A_61 = arith.constant 0 : index
    %get3A_62 = vector.load %arg13[%get3A_60, %get3A_61] : memref<128x128xf32, #tpu.memory_space<vmem>>, vector<128x128xf32>
    %dot_general3A_63 = arith.constant dense<0.000000e+00> : vector<1000x128xf32>
    %dot_general3A_64 = tpu.matmul %add3A_35, %get3A_62, %dot_general3A_63 {dimension_numbers = #tpu.dot_dimension_numbers<[1], [0], [0], [1], [0, 0, 1, 1], [], []>, transpose_lhs_hint = false} : vector<1000x128xf32>, vector<128x128xf32>, vector<1000x128xf32> -> vector<1000x128xf32>
    %get3A_65 = arith.constant 0 : index
    %get3A_66 = arith.constant 0 : index
    %get3A_67 = vector.load %arg14[%get3A_65, %get3A_66] : memref<128x128xf32, #tpu.memory_space<vmem>>, vector<128x128xf32>
    %dot_general3A_68 = arith.constant dense<0.000000e+00> : vector<1000x128xf32>
    %dot_general3A_69 = tpu.matmul %get3A_38, %get3A_67, %dot_general3A_68 {dimension_numbers = #tpu.dot_dimension_numbers<[1], [0], [0], [1], [0, 0, 1, 1], [], []>, transpose_lhs_hint = false} : vector<1000x128xf32>, vector<128x128xf32>, vector<1000x128xf32> -> vector<1000x128xf32>
    %add3A_70 = arith.addf %dot_general3A_64, %dot_general3A_69 : vector<1000x128xf32>
    %get3A_71 = arith.constant 0 : index
    %get3A_72 = arith.constant 0 : index
    %get3A_73 = vector.load %arg15[%get3A_71, %get3A_72] : memref<1x128xf32, #tpu.memory_space<vmem>>, vector<1x128xf32>
    %add3A_74 = vector.broadcast %get3A_73 : vector<1x128xf32> to vector<1000x128xf32>
    %add3A_75 = arith.addf %add3A_70, %add3A_74 : vector<1000x128xf32>
    %logistic3A_76 = arith.negf %add3A_75 : vector<1000x128xf32>
    %logistic3A_77 = math.exp %logistic3A_76 : vector<1000x128xf32>
    %logistic3A_78 = arith.constant 1.000000e+00 : f32
    %logistic3A_79 = vector.broadcast %logistic3A_78 : f32 to vector<1000x128xf32>
    %logistic3A_80 = arith.addf %logistic3A_79, %logistic3A_77 : vector<1000x128xf32>
    %logistic3A_81 = arith.divf %logistic3A_79, %logistic3A_80 : vector<1000x128xf32>
    %get3A_82 = arith.constant 0 : index
    %get3A_83 = arith.constant 0 : index
    %get3A_84 = vector.load %arg16[%get3A_82, %get3A_83] : memref<128x128xf32, #tpu.memory_space<vmem>>, vector<128x128xf32>
    %dot_general3A_85 = arith.constant dense<0.000000e+00> : vector<1000x128xf32>
    %dot_general3A_86 = tpu.matmul %add3A_35, %get3A_84, %dot_general3A_85 {dimension_numbers = #tpu.dot_dimension_numbers<[1], [0], [0], [1], [0, 0, 1, 1], [], []>, transpose_lhs_hint = false} : vector<1000x128xf32>, vector<128x128xf32>, vector<1000x128xf32> -> vector<1000x128xf32>
    %mul3A_87 = arith.mulf %logistic3A_81, %get3A_38 : vector<1000x128xf32>
    %get3A_88 = arith.constant 0 : index
    %get3A_89 = arith.constant 0 : index
    %get3A_90 = vector.load %arg17[%get3A_88, %get3A_89] : memref<128x128xf32, #tpu.memory_space<vmem>>, vector<128x128xf32>
    %dot_general3A_91 = arith.constant dense<0.000000e+00> : vector<1000x128xf32>
    %dot_general3A_92 = tpu.matmul %mul3A_87, %get3A_90, %dot_general3A_91 {dimension_numbers = #tpu.dot_dimension_numbers<[1], [0], [0], [1], [0, 0, 1, 1], [], []>, transpose_lhs_hint = false} : vector<1000x128xf32>, vector<128x128xf32>, vector<1000x128xf32> -> vector<1000x128xf32>
    %add3A_93 = arith.addf %dot_general3A_86, %dot_general3A_92 : vector<1000x128xf32>
    %get3A_94 = arith.constant 0 : index
    %get3A_95 = arith.constant 0 : index
    %get3A_96 = vector.load %arg18[%get3A_94, %get3A_95] : memref<1x128xf32, #tpu.memory_space<vmem>>, vector<1x128xf32>
    %add3A_97 = vector.broadcast %get3A_96 : vector<1x128xf32> to vector<1000x128xf32>
    %add3A_98 = arith.addf %add3A_93, %add3A_97 : vector<1000x128xf32>
    %tanh3A = math.tanh %add3A_98 : vector<1000x128xf32>
    %sub3A = arith.constant 1.000000e+00 : f32
    %sub3A_99 = vector.broadcast %sub3A : f32 to vector<1000x128xf32>
    %sub3A_100 = arith.subf %sub3A_99, %logistic3A_59 : vector<1000x128xf32>
    %mul3A_101 = arith.mulf %sub3A_100, %get3A_38 : vector<1000x128xf32>
    %mul3A_102 = arith.mulf %logistic3A_59, %tanh3A : vector<1000x128xf32>
    %add3A_103 = arith.addf %mul3A_101, %mul3A_102 : vector<1000x128xf32>
    %mul3A_104 = arith.constant 1.000000e-01 : f32
    %mul3A_105 = vector.broadcast %mul3A_104 : f32 to vector<1000x128xf32>
    %mul3A_106 = arith.mulf %mul3A_105, %get3A_38 : vector<1000x128xf32>
    %add3A_107 = arith.addf %add3A_103, %mul3A_106 : vector<1000x128xf32>
    %get3A_108 = arith.constant 0 : index
    %get3A_109 = arith.constant 0 : index
    %get3A_110 = vector.load %arg19[%get3A_108, %get3A_109] : memref<128x128xf32, #tpu.memory_space<vmem>>, vector<128x128xf32>
    %dot_general3A_111 = arith.constant dense<0.000000e+00> : vector<1000x128xf32>
    %dot_general3A_112 = tpu.matmul %add3A_107, %get3A_110, %dot_general3A_111 {dimension_numbers = #tpu.dot_dimension_numbers<[1], [0], [0], [1], [0, 0, 1, 1], [], []>, transpose_lhs_hint = false} : vector<1000x128xf32>, vector<128x128xf32>, vector<1000x128xf32> -> vector<1000x128xf32>
    %get3A_113 = arith.constant 0 : index
    %get3A_114 = arith.constant 0 : index
    %get3A_115 = vector.load %arg20[%get3A_113, %get3A_114] : memref<1x128xf32, #tpu.memory_space<vmem>>, vector<1x128xf32>
    %add3A_116 = vector.broadcast %get3A_115 : vector<1x128xf32> to vector<1000x128xf32>
    %add3A_117 = arith.addf %dot_general3A_112, %add3A_116 : vector<1000x128xf32>
    %max3A_118 = arith.constant 0.000000e+00 : f32
    %max3A_119 = vector.broadcast %max3A_118 : f32 to vector<1000x128xf32>
    %max3A_120 = arith.maximumf %add3A_117, %max3A_119 : vector<1000x128xf32>
    %swap3A = arith.constant 0 : index
    %swap3A_121 = arith.constant 0 : index
    %swap3A_122 = vector.load %arg21[%swap3A, %swap3A_121] : memref<1000x128xf32, #tpu.memory_space<vmem>>, vector<1000x128xf32>
    tpu.vector_store %arg21[%swap3A, %swap3A_121], %max3A_120 {strides = array<i32>} : memref<1000x128xf32, #tpu.memory_space<vmem>>, vector<1000x128xf32>,
    return
  }
  func.func @transform_0(%arg0: i32) -> (i32, i32) {
    %c0_i32 = arith.constant 0 : i32
    %c0_i32_0 = arith.constant 0 : i32
    return %arg0, %c0_i32 : i32, i32
  }
  func.func @transform_1(%arg0: i32) -> (i32, i32) {
    %c0_i32 = arith.constant 0 : i32
    %c0_i32_0 = arith.constant 0 : i32
    return %arg0, %c0_i32 : i32, i32
  }
  func.func @transform_2(%arg0: i32) -> (i32, i32) {
    %c0_i32 = arith.constant 0 : i32
    %c0_i32_0 = arith.constant 0 : i32
    return %arg0, %c0_i32 : i32, i32
  }
  func.func @transform_3(%arg0: i32) -> (i32, i32) {
    %c0_i32 = arith.constant 0 : i32
    %c0_i32_0 = arith.constant 0 : i32
    return %arg0, %c0_i32 : i32, i32
  }
  func.func @transform_4(%arg0: i32) -> (i32, i32) {
    %c0_i32 = arith.constant 0 : i32
    %c0_i32_0 = arith.constant 0 : i32
    return %arg0, %c0_i32 : i32, i32
  }
  func.func @transform_5(%arg0: i32) -> (i32, i32) {
    %c0_i32 = arith.constant 0 : i32
    %c0_i32_0 = arith.constant 0 : i32
    %c0_i32_1 = arith.constant 0 : i32
    return %c0_i32, %c0_i32_0 : i32, i32
  }
  func.func @transform_6(%arg0: i32) -> (i32, i32) {
    %c0_i32 = arith.constant 0 : i32
    %c0_i32_0 = arith.constant 0 : i32
    %c0_i32_1 = arith.constant 0 : i32
    return %c0_i32, %c0_i32_0 : i32, i32
  }
  func.func @transform_7(%arg0: i32) -> (i32, i32) {
    %c0_i32 = arith.constant 0 : i32
    %c0_i32_0 = arith.constant 0 : i32
    %c0_i32_1 = arith.constant 0 : i32
    return %c0_i32, %c0_i32_0 : i32, i32
  }
  func.func @transform_8(%arg0: i32) -> (i32, i32) {
    %c0_i32 = arith.constant 0 : i32
    %c0_i32_0 = arith.constant 0 : i32
    %c0_i32_1 = arith.constant 0 : i32
    return %c0_i32, %c0_i32_0 : i32, i32
  }
  func.func @transform_9(%arg0: i32) -> (i32, i32) {
    %c0_i32 = arith.constant 0 : i32
    %c0_i32_0 = arith.constant 0 : i32
    %c0_i32_1 = arith.constant 0 : i32
    return %c0_i32, %c0_i32_0 : i32, i32
  }
  func.func @transform_10(%arg0: i32) -> (i32, i32) {
    %c0_i32 = arith.constant 0 : i32
    %c0_i32_0 = arith.constant 0 : i32
    %c0_i32_1 = arith.constant 0 : i32
    return %c0_i32, %c0_i32_0 : i32, i32
  }
  func.func @transform_11(%arg0: i32) -> (i32, i32) {
    %c0_i32 = arith.constant 0 : i32
    %c0_i32_0 = arith.constant 0 : i32
    %c0_i32_1 = arith.constant 0 : i32
    return %c0_i32, %c0_i32_0 : i32, i32
  }
  func.func @transform_12(%arg0: i32) -> (i32, i32) {
    %c0_i32 = arith.constant 0 : i32
    %c0_i32_0 = arith.constant 0 : i32
    %c0_i32_1 = arith.constant 0 : i32
    return %c0_i32, %c0_i32_0 : i32, i32
  }
  func.func @transform_13(%arg0: i32) -> (i32, i32) {
    %c0_i32 = arith.constant 0 : i32
    %c0_i32_0 = arith.constant 0 : i32
    %c0_i32_1 = arith.constant 0 : i32
    return %c0_i32, %c0_i32_0 : i32, i32
  }
  func.func @transform_14(%arg0: i32) -> (i32, i32) {
    %c0_i32 = arith.constant 0 : i32
    %c0_i32_0 = arith.constant 0 : i32
    %c0_i32_1 = arith.constant 0 : i32
    return %c0_i32, %c0_i32_0 : i32, i32
  }
  func.func @transform_15(%arg0: i32) -> (i32, i32) {
    %c0_i32 = arith.constant 0 : i32
    %c0_i32_0 = arith.constant 0 : i32
    %c0_i32_1 = arith.constant 0 : i32
    return %c0_i32, %c0_i32_0 : i32, i32
  }
  func.func @transform_16(%arg0: i32) -> (i32, i32) {
    %c0_i32 = arith.constant 0 : i32
    %c0_i32_0 = arith.constant 0 : i32
    %c0_i32_1 = arith.constant 0 : i32
    return %c0_i32, %c0_i32_0 : i32, i32
  }
  func.func @transform_17(%arg0: i32) -> (i32, i32) {
    %c0_i32 = arith.constant 0 : i32
    %c0_i32_0 = arith.constant 0 : i32
    %c0_i32_1 = arith.constant 0 : i32
    return %c0_i32, %c0_i32_0 : i32, i32
  }
  func.func @transform_18(%arg0: i32) -> (i32, i32) {
    %c0_i32 = arith.constant 0 : i32
    %c0_i32_0 = arith.constant 0 : i32
    %c0_i32_1 = arith.constant 0 : i32
    return %c0_i32, %c0_i32_0 : i32, i32
  }
  func.func @transform_19(%arg0: i32) -> (i32, i32) {
    %c0_i32 = arith.constant 0 : i32
    %c0_i32_0 = arith.constant 0 : i32
    %c0_i32_1 = arith.constant 0 : i32
    return %c0_i32, %c0_i32_0 : i32, i32
  }
  func.func @transform_20(%arg0: i32) -> (i32, i32) {
    %c0_i32 = arith.constant 0 : i32
    %c0_i32_0 = arith.constant 0 : i32
    return %arg0, %c0_i32 : i32, i32
  }
}

</mosaic_0001>

<sc_bundles>
// kernel: kernel.6.cloned.1.call-start
scs
__scs_entry_jumppad:
0x0: {  	(pc) =	sbr.rel $0x88, $3  }
0x1: {  	(tag) =	ssettag $0x0;
	lr =	simm.s32 $0x1  }
0x2: {  	[smem:$0x3F8E] =	sst lr;
	_ =	strace $0xD0000000  }
0x3: {  	_ = 	snop  }
0x4: {  	_ = 	snop  }
0x5: {  	_ = 	snop  }
0x6: {  	_ = 	snop  }
0x7: {  	_ = 	snop  }
__scs_overlays_trampoline_lowered:
0x8: {  	[smem:$0x3F9D] =	sst s0  }
0x9: {  	[smem:$0x3F9E] =	sst s1  }
0xa: {  	[smem:$0x3F9F] =	sst s2  }
0xb: {  	[smem:$0x3FA0] =	sst s3  }
0xc: {  	[smem:$0x3FA1] =	sst s4  }
0xd: {  	[smem:$0x3FA2] =	sst s5  }
0xe: {  	[smem:$0x3FA3] =	sst s6  }
0xf: {  	[smem:$0x3FA4] =	sst s7  }
0x10: {  	[smem:$0x3FA5] =	sst s8  }
0x11: {  	[smem:$0x3FA6] =	sst s9;
	s0 =	simm.s32 @!p0 $0x0  }
0x12: {  	s1 =	sld [smem:$0x3F8C];
	s0 =	simm.s32 @p0 $0x1  }
0x13: {  	[smem:$0x3FA7] =	sst s0;
	s0 =	simm.s32 @!p1 $0x0  }
0x14: {  	s2 =	sld [smem:$0x3F8B];
	s0 =	simm.s32 @p1 $0x1  }
0x15: {  	[smem:$0x3FA8] =	sst s0;
	s0 =	simm.s32 @!p2 $0x0  }
0x16: {  	s3 =	sld [smem:$0x3FDB];
	s0 =	simm.s32 @p2 $0x1  }
0x17: {  	s4 =	simm.s32 $0x1BF5;
	[smem:$0x3FAA] =	sst s0  }
0x18: {  	s0 =	sld [smem:$0x3F8D];
	_ =	swait.ge [sflag:s4], $0x0  }
0x19: {  	s7 =	sld [smem:$0x3F8E]  }
0x1a: {  	s8 =	sadd.s32 $0xFFFFE003, lr  }
0x1b: {  	s9 =	sadd.s32 $0xFFFFFEF7, lr;
	s5 =	simm.s32 $0xFFFFFFFF;
	p2 =	slt.u32 s8, $0xFFFFF086  }
0x1c: {  	p1 =	slt.u32 s9, $0xF7A;
	s5 =	simm.s32 @!p2 $0x0  }
0x1d: {  	s5 =	simm.s32 @p1 $0x1;
	p0 =	seq.s32 s7, s2  }
0x1e: {  	s7 =	smul.u32 @!p0 $0xF7A, s2;
	p2 =	seq.s32 @!p0 s5, $0x0  }
0x1f: {  	s9 =	smul.u32 $0xF7A, s1;
	s8 =	simm.s32 @!p0 $0x1BF5;
	p2 =	por !p2, p0  }
0x20: {  	[sflag:s8] =	ssyncset.s32 @!p0 $0xFFFFF086;
	s6 =	sadd.s32 @!p0 s3, s7;
	s7 =	simm.s32 @!p0 $0x108  }
0x21: {  	s3 =	sadd.s32 s3, s9;
	s6 =	sadd.s32 @!p0 $0x88, s6;
	s7 =	simm.s32 @p2 $0x1082  }
0x22: {  	[simem:s7], [sflag:s8] =	dma.local @!p0 [hbm:s6], $0xF7A  }
0x23: {  	s9 =	sor.u32 $0xD0000000, s2;
	s6 =	simm.s32 $0x108;
	_ =	swait.ge @!p0 [sflag:s8], $0x0  }
0x24: {  	s3 =	sadd.s32 $0x88, s3;
	s6 =	simm.s32 @!p1 $0x1082;
	[sflag:s4] =	ssyncset.s32 $0xFFFFF086  }
0x25: {  	[simem:s6], [sflag:s4] =	dma.local [hbm:s3], $0xF7A  }
0x26: {  	[smem:$0x3F8E] =	sst s1;
	(tag) =	ssettag s2;
	_ =	strace s9  }
0x27: {  	s1 =	sld [smem:$0x3F9E]  }
0x28: {  	s2 =	sld [smem:$0x3F9F]  }
0x29: {  	s4 =	sld [smem:$0x3FA1]  }
0x2a: {  	p0 =	seq.s32 s5, $0x0;
	s5 =	sld [smem:$0x3FA2]  }
0x2b: {  	s6 =	sld [smem:$0x3FA3]  }
0x2c: {  	s7 =	sld [smem:$0x3FA4]  }
0x2d: {  	s3 =	simm.s32 $0x108;
	s8 =	sld [smem:$0x3FA5]  }
0x2e: {  	s3 =	simm.s32 @!p0 $0x1082;
	s9 =	sld [smem:$0x3FA6]  }
0x2f: {  	lr =	sadd.s32 s0, s3;
	s0 =	sld [smem:$0x3F9D]  }
0x30: {  	s3 =	sld [smem:$0x3FA0]  }
0x31: {  	[smem:$0x3FA9] =	sst s10  }
0x32: {  	s10 =	sld [smem:$0x3FA7];
	_ =	sdelay $0x3  }
0x33: {  	p0 =	seq.s32 s10, $0x1;
	s10 =	sld [smem:$0x3FA9];
	_ =	sdelay $0x3  }
0x34: {  	[smem:$0x3FA9] =	sst s10  }
0x35: {  	s10 =	sld [smem:$0x3FA8];
	_ =	sdelay $0x3  }
0x36: {  	p1 =	seq.s32 s10, $0x1;
	s10 =	sld [smem:$0x3FA9];
	_ =	sdelay $0x3  }
0x37: {  	[smem:$0x3FA9] =	sst s10  }
0x38: {  	s10 =	sld [smem:$0x3FAA]  }
0x39: {  	_ = 	snop;
	(pc) =	sbr.ind lr, $3  }
0x3a: {  	_ = 	snop  }
0x3b: {  	_ = 	snop  }
0x3c: {  	p2 =	seq.s32 s10, $0x1;
	s10 =	sld [smem:$0x3FA9]  }
0x3d: {  	_ =	shalt  }
0x3e: {  	_ =	shalt  }
0x3f: {  	_ =	shalt  }
0x40: {  	_ =	shalt  }
0x41: {  	_ =	shalt  }
0x42: {  	_ =	shalt  }
0x43: {  	_ =	shalt  }
0x44: {  	_ =	shalt  }
0x45: {  	_ =	shalt  }
0x46: {  	_ =	shalt  }
0x47: {  	_ =	shalt  }
0x48: {  	_ =	shalt  }
0x49: {  	_ =	shalt  }
0x4a: {  	_ =	shalt  }
0x4b: {  	_ =	shalt  }
0x4c: {  	_ =	shalt  }
0x4d: {  	_ =	shalt  }
0x4e: {  	_ =	shalt  }
0x4f: {  	_ =	shalt  }
0x50: {  	_ =	shalt  }
0x51: {  	_ =	shalt  }
0x52: {  	_ =	shalt  }
0x53: {  	_ =	shalt  }
0x54: {  	_ =	shalt  }
0x55: {  	_ =	shalt  }
0x56: {  	_ =	shalt  }
0x57: {  	_ =	shalt  }
0x58: {  	_ =	shalt  }
0x59: {  	_ =	shalt  }
0x5a: {  	_ =	shalt  }
0x5b: {  	_ =	shalt  }
0x5c: {  	_ =	shalt  }
0x5d: {  	_ =	shalt  }
0x5e: {  	_ =	shalt  }
0x5f: {  	_ =	shalt  }
0x60: {  	_ =	shalt  }
0x61: {  	_ =	shalt  }
0x62: {  	_ =	shalt  }
0x63: {  	_ =	shalt  }
0x64: {  	_ =	shalt  }
0x65: {  	_ =	shalt  }
0x66: {  	_ =	shalt  }
0x67: {  	_ =	shalt  }
0x68: {  	_ =	shalt  }
0x69: {  	_ =	shalt  }
0x6a: {  	_ =	shalt  }
0x6b: {  	_ =	shalt  }
0x6c: {  	_ =	shalt  }
0x6d: {  	_ =	shalt  }
0x6e: {  	_ =	shalt  }
0x6f: {  	_ =	shalt  }
0x70: {  	_ =	shalt  }
0x71: {  	_ =	shalt  }
0x72: {  	_ =	shalt  }
0x73: {  	_ =	shalt  }
0x74: {  	_ =	shalt  }
0x75: {  	_ =	shalt  }
0x76: {  	_ =	shalt  }
0x77: {  	_ =	shalt  }
0x78: {  	_ =	shalt  }
0x79: {  	_ =	shalt  }
0x7a: {  	_ =	shalt  }
0x7b: {  	_ =	shalt  }
0x7c: {  	_ =	shalt  }
0x7d: {  	_ =	shalt  }
0x7e: {  	_ =	shalt  }
0x7f: {  	_ =	shalt  }
0x80: {  	_ =	shalt  }
0x81: {  	_ =	shalt  }
0x82: {  	_ =	shalt  }
0x83: {  	_ =	shalt  }
0x84: {  	_ =	shalt  }
0x85: {  	_ =	shalt  }
0x86: {  	_ =	shalt  }
0x87: {  	_ =	shalt  }
.Lfunc_end0:
.L_simem_size_0:
called_computation_lowered:
.L_overlay_start_0:
0x88: {  	s2 =	sld [smem:$0x3FD9]  }
0x89: {  	s3 =	sld [smem:$0x3FFE];
	_ =	sdelay $0x1  }
0x8a: {  	s1 =	srdreg.scid  }
0x8b: {  	s0 =	sand.u32 $0x1, s1  }
0x8c: {  	s17 =	sshll.u32 s0, $0xA;
	s2 =	sadd.s32 s3, s2  }
0x8d: {  	s2 =	sadd.s32 s2, s17  }
0x8e: {  	[smem:$0x3FB5] =	sst s2  }
0x8f: {  	_ = 	snop  }
0x90: {  	s2 =	sld [smem:$0x3FD0];
	(tm) =	ssettm $0x1  }
0x91: {  	s18 =	sld [smem:$0x3FFB];
	_ =	sdelay $0x3  }
0x92: {  	_ =	strace s18  }
0x93: {  	s3 =	sld [smem:$0x3FFC];
	_ =	sdelay $0x3  }
0x94: {  	_ =	strace s3  }
0x95: {  	s3 =	sld [smem:$0x3FFD];
	_ =	sdelay $0x3  }
0x96: {  	_ =	strace s3  }
0x97: {  	_ =	strace $0x8FFFFFFF  }
0x98: {  	s19 =	sld [smem:$0x3FDB];
	_ =	sdelay $0x1  }
0x99: {  	s4 =	simm.s32 $_scs_section_size  }
0x9a: {  	s5 =	simm.s32 $_size__tile_overlayer_lowered;
	s6 =	simm.s32 $_tile_overlayer_lowered  }
0x9b: {  	s22 =	simm.s32 $0x1BFF;
	s21 =	sshll.u32 s6, $0x1;
	s3 =	sadd.s32 s4, s19  }
0x9c: {  	s7 =	simm.s32 $0x0;
	s20 =	sshll.u32 s5, $0x1;
	s5 =	sadd.s32 s21, s3  }
0x9d: {  	[timem:s7], [sflag:s22] =	dma.local [hbm:s5], s20  }
0x9e: {  	_ =	swait.ge [sflag:s22], s20  }
0x9f: {  	s4 =	ssub.s32 $0x0, s20;
	[sflag:s22] =	ssyncset.done $0x0  }
0xa0: {  	[sflag:s22] =	ssyncadd.s32 s4;
	_ =	sdelay $0x1  }
0xa1: {  	s23 =	simm.s32 $0x1B8B  }
0xa2: {  	_ =	swait.ge [sflag:s23], $0x1  }
0xa3: {  	[sflag:s23] =	ssyncset.done $0x0  }
0xa4: {  	s25 =	simm.s32 $0x1B8E;
	s24 =	sld [smem:$0x3FFE];
	[sflag:s23] =	ssyncadd.s32 $0xFFFFFFFF  }
0xa5: {  	s26 =	simm.s32 $execute0_lowered;
	[smem:$0x3FD2] =	sst s25  }
0xa6: {  	s5 =	sshll.u32 s26, $0x1;
	_ =	strace $0x80000046;
	[dreg:$0x1] =	wrdreg $0xFFFFFFFF  }
0xa7: {  	s28 =	simm.s32 $_size_execute0_lowered;
	s3 =	sadd.s32 s3, s5;
	[dreg:$0x0] =	wrdreg $0x0  }
0xa8: {  	s5 =	sshll.u32 s28, $0x1;
	[dreg:$0x2] =	wrdreg s3  }
0xa9: {  	[dreg:$0x3] =	wrdreg s5  }
0xaa: {  	[dreg:$0x4] =	wrdreg $0xC0  }
0xab: {  	_ =	task [dreg:s7], $0x5FFFF  }
0xac: {  	[dreg:$0x1] =	wrdreg $0xFFFFFFFF  }
0xad: {  	[dreg:$0x0] =	wrdreg $0x60  }
0xae: {  	[dreg:$0x2] =	wrdreg s2  }
0xaf: {  	[dreg:$0x3] =	wrdreg s24  }
0xb0: {  	[dreg:$0x4] =	wrdreg $0x0  }
0xb1: {  	[dreg:$0x5] =	wrdreg $0x9  }
0xb2: {  	_ =	task.clear_ibuf [dreg:s7], $0x6FFFF;
	_ =	strace $0x90000046  }
0xb3: {  	s29 =	simm.s32 $0x9;
	_ =	strace $0x80000048  }
0xb4: {  	_ =	swait.ge [sflag:s29], $0x1  }
0xb5: {  	[sflag:s29] =	ssyncadd.s32 $0xFFFFFFFF  }
0xb6: {  	_ =	strace $0x90000048  }
0xb7: {  	_ =	sfence  }
0xb8: {  	s30 =	sld [smem:$0x0];
	_ =	sdelay $0x2  }
0xb9: {  	s31 =	sshll.u32 s1, $0xD;
	s1 =	sshrl.u32 s1, $0x2  }
0xba: {  	s3 =	sand.u32 $0x4000, s31;
	s1 =	sadd.s32 s1, s30  }
0xbb: {  	s0 =	sor.u32 s3, s0;
	s1 =	sshll.u32 s1, $0x11  }
0xbc: {  	s0 =	sor.u32 s1, s0  }
0xbd: {  	s0 =	sadd.s32 $0x8F2B, s0  }
0xbe: {  	[sflag:s0] =	ssyncadd.remote.s32 $0x1  }
0xbf: {  	_ =	sfence.sel $0xFFFF  }
0xc0: {  	[dreg:$0x0] =	wrdreg $0xFFFFFFFF;
	(pc) =	sbr.abs _section_cstart, $3  }
0xc1: {  	[dreg:$0x1] =	wrdreg $0xFFFFFFFF  }
0xc2: {  	_ =	task.clear_ibuf [dreg:s7], $0x2FFFF;
	_ =	strace $0x9FFFFFFF  }
0xc3: {  	(tm) =	ssettm $0x7FFFFFFF  }
tec
execute0_lowered:
.L_overlay_start_1:
0x0: {  	(tag) =	ssettag $0x1  }
0x1: {  	s25 =	rddreg [dreg:$0x0]  }
0x2: {  	s0 =	rddreg [dreg:$0x1]  }
0x3: {  	s3 =	rddreg [dreg:$0x2]  }
0x4: {  	s4 =	simm.s32 $0x0;
	s1 =	stileid.u32;
	s10 =	srdreg.scid  }
0x5: {  	[smem:$0x7FF] =	sst s4;
	s2 =	smul.u32 $0x13800, s1  }
0x6: {  	s28 =	simm.s32 $0x5;
	s6 =	sadd.s32 $0x4F9400, s0;
	s7 =	sadd.s32 $0x4EF600, s0  }
0x7: {  	s5 =	sadd.s32 $0x3800, s0;
	s8 =	sadd.s32 $0x4E5800, s0;
	s11 =	sadd.s32 $0x78E00, s0  }
0x8: {  	s19 =	sadd.s32 $0x79200, s0;
	s10 =	sand.u32 $0x1, s10;
	s14 =	smul.u32 $0x4E000, s1  }
0x9: {  	s15 =	sadd.s32 $0xC7400, s0;
	s21 =	sshll.u32 s1, $0x6;
	s26 =	smul.u32 $0x2710, s1  }
0xa: {  	p0 =	sne.s32 s1, $0xF;
	_ =	strace $0x80000047;
	[dreg:$0x4] =	wrdreg s11  }
0xb: {  	s12 =	ssub.s32 $0x2, s10;
	s13 =	sshll.u32 s10, $0x4;
	s17 =	smul.u32 $0x138800, s10  }
0xc: {  	s10 =	smul.u32 $0x27100, s10;
	s9 =	sshrl.u32 s2, $0x3;
	s16 =	sshrl.u32 s12, $0x1  }
0xd: {  	s13 =	sor.u32 s1, s13;
	s14 =	sshrl.u32 s14, $0x2;
	s9 =	sadd.s32 s9, s0  }
0xe: {  	s12 =	ssub.s32 s12, s16;
	s20 =	smul.u32 $0x2710, s13;
	s29 =	sadd.s32 s14, s3  }
0xf: {  	s14 =	sor.u32 $0x1C0B, s21;
	s0 =	sadd.s32 $0x78C00, s0;
	s2 =	sadd.s32 s2, s17  }
0x10: {  	s23 =	sshrl.u32 s17, $0x3;
	s13 =	smul.u32 $0x27100, s13;
	s10 =	sadd.s32 s26, s10  }
0x11: {  	s16 =	simm.s32 $0x7;
	s9 =	sadd.s32 $0x51C00, s9;
	[dreg:$0x8] =	wrdreg s0  }
0x12: {  	s2 =	sshrl.u32 s2, $0x3;
	s21 =	smax.u32 s12, $0x1;
	[dreg:$0x5] =	wrdreg s29  }
0x13: {  	s12 =	smov.u32 s14;
	s26 =	sadd.s32 $0xA0, s10;
	[dreg:$0x6] =	wrdreg s9  }
0x14: {  	s22 =	sshrl.u32 s20, $0x3;
	s18 =	sadd.s32 $0x28, s20;
	[dreg:$0x14] =	wrdreg s21  }
0x15: {  	s24 =	sadd.s32 s19, s2;
	s9 =	sadd.s32 $0x27000, s23;
	[dreg:$0x7] =	wrdreg s12  }
0x16: {  	s2 =	sadd.s32 s15, s2;
	s23 =	sadd.s32 $0xC8, s10;
	[dreg:$0xa] =	wrdreg s24  }
0x17: {  	s21 =	simm.s32 $0x18B80;
	s10 =	simm.s32 $0xA;
	[dreg:$0xc] =	wrdreg s2  }
0x18: {  	s11 =	sadd.s32 s19, s9;
	s30 =	sadd.s32 s15, s9;
	[dreg:$0x9] =	wrdreg s18  }
0x19: {  	s9 =	sshrl.u32 s18, $0x3;
	s15 =	sadd.s32 s7, s22;
	[dreg:$0xb] =	wrdreg s11  }
0x1a: {  	s0 =	sadd.s32 s8, s22;
	s19 =	sadd.s32 s6, s13;
	[dreg:$0xd] =	wrdreg s30  }
0x1b: {  	s24 =	sadd.s32 $0x50, s20;
	s20 =	sadd.s32 $0x78, s20;
	[dreg:$0xe] =	wrdreg s15  }
0x1c: {  	s2 =	sshrl.u32 s26, $0x3;
	s26 =	simm.s32 $0x3;
	[dreg:$0xf] =	wrdreg s0  }
0x1d: {  	s13 =	simm.s32 $0x19F80;
	s17 =	sadd.s32 s7, s9;
	[dreg:$0x12] =	wrdreg s19  }
0x1e: {  	s18 =	sadd.s32 s8, s9;
	s22 =	sshrl.u32 s24, $0x3;
	[dreg:$0x13] =	wrdreg s20  }
0x1f: {  	s9 =	sshrl.u32 s20, $0x3;
	s31 =	sadd.s32 s2, s8;
	s30 =	sadd.s32 $0x138000, s3  }
0x20: {  	s2 =	simm.s32 $0xB;
	s19 =	simm.s32 $0x28;
	s20 =	simm.s32 $0x13A80  }
0x21: {  	s15 =	simm.s32 $0x9;
	s11 =	simm.s32 $0x0;
	[dreg:$0x10] =	wrdreg s17  }
.Ltmp0:
0x22: {  	[dreg:$0x11] =	wrdreg s18;
	s0 =	sadd.s32 s8, s22;
	(pc) =	sbr.rel .LBB2_1-.Ltmp0, $4  }
0x23: {  	s9 =	sadd.s32 s8, s9;
	[dreg:$0x18] =	wrdreg s30;
	s17 =	simm.s32 $0x13900  }
0x24: {  	s18 =	simm.s32 $0x13A00;
	[dreg:$0x15] =	wrdreg s0;
	s0 =	sshrl.u32 s23, $0x3  }
0x25: {  	s22 =	simm.s32 $0x13B00;
	[dreg:$0x16] =	wrdreg s9;
	s0 =	sadd.s32 s0, s8  }
0x26: {  	s23 =	simm.s32 $0x1;
	s9 =	simm.s32 $0x8;
	[dreg:$0x17] =	wrdreg s0  }
.LBB2_11:
0x27: {  	_ =	swait.ge [sflag:s15], $0x1400  }
0x28: {  	[sflag:s15] =	ssyncset.done $0x0  }
0x29: {  	[sflag:s15] =	ssyncadd.s32 $0xFFFFEC00  }
0x2a: {  	_ =	swait.ge [sflag:s10], $0x1400  }
0x2b: {  	[sflag:s10] =	ssyncset.done $0x0  }
0x2c: {  	[sflag:s10] =	ssyncadd.s32 $0xFFFFEC00  }
0x2d: {  	[bflag:$0x0] =	sbarrier.arrive $0xFFFF  }
0x2e: {  	s0 =	rddreg [dreg:$0xc]  }
0x2f: {  	s2 =	simm.s32 $0xB;
	s1 =	rddreg [dreg:$0x1a]  }
0x30: {  	[hbm:s0], [sflag:s12] =	dma.local [spmem:s1], $0x2700  }
0x31: {  	_ =	swait.ge [sflag:s2], $0x2700  }
0x32: {  	[sflag:s2] =	ssyncset.done $0x0;
	s0 =	rddreg [dreg:$0xd]  }
0x33: {  	s1 =	rddreg [dreg:$0x1b];
	[sflag:s2] =	ssyncadd.s32 $0xFFFFD900  }
0x34: {  	[hbm:s0], [sflag:s12] =	dma.local @!p0 [spmem:s1], $0x100  }
0x35: {  	s0 =	simm.s32 @!p0 $0xB  }
0x36: {  	_ =	swait.ge @!p0 [sflag:s0], $0x100  }
0x37: {  	s11 =	rddreg [dreg:$0x19]  }
0x38: {  	s30 =	rddreg [dreg:$0x14];
	s11 =	sadd.s32 $0x1, s11  }
0x39: {  	p1 =	sne.s32 s11, s30  }
.Ltmp1:
0x3a: {  	_ = 	snop;
	(pc) =	sbr.rel @!p1 .LBB2_12-.Ltmp1, $3  }
0x3b: {  	_ =	sdelay $0x1  }
0x3c: {  	[sflag:s0] =	ssyncset.done @!p0 $0x0  }
0x3d: {  	[sflag:s0] =	ssyncadd.s32 @!p0 $0xFFFFFF00  }
.LBB2_1:
0x3e: {  	[dreg:$0x19] =	wrdreg s11  }
0x3f: {  	s1 =	sshrl.u32 s29, $0x3;
	s0 =	rddreg [dreg:$0x6]  }
0x40: {  	[dreg:$0x1a] =	wrdreg s1  }
0x41: {  	[spmem:s1], [sflag:s12] =	dma.local [hbm:s0], $0x2700  }
0x42: {  	_ =	swait.ge [sflag:s2], $0x2700  }
0x43: {  	s0 =	rddreg [dreg:$0x18]  }
0x44: {  	[sflag:s2] =	ssyncset.done $0x0;
	s1 =	sshrl.u32 @!p0 s0, $0x3;
	s0 =	rddreg [dreg:$0x8]  }
0x45: {  	[sflag:s2] =	ssyncadd.s32 $0xFFFFD900;
	s2 =	simm.s32 @!p0 $0xB;
	[dreg:$0x1b] =	wrdreg s1  }
0x46: {  	[spmem:s1], [sflag:s12] =	dma.local @!p0 [hbm:s0], $0x100  }
0x47: {  	_ =	swait.ge @!p0 [sflag:s2], $0x100  }
0x48: {  	[sflag:s2] =	ssyncset.done @!p0 $0x0  }
0x49: {  	[sflag:s2] =	ssyncadd.s32 @!p0 $0xFFFFFF00  }
0x4a: {  	[bflag:$0x0] =	sbarrier.arrive $0xFFFF  }
0x4b: {  	s2 =	simm.s32 $0x13880;
	s1 =	rddreg [dreg:$0xe]  }
0x4c: {  	[tilespmem:s2], [sflag:$0x7] =	stream.linear.gather [hbm4b:s1+s4], $0x28, $0x38;
	[tilespmem:$0x1B380] =	vst v63  }
0x4d: {  	s30 =	simm.s32 $0x13980;
	s29 =	rddreg [dreg:$0xf]  }
0x4e: {  	[tilespmem:s30], [sflag:$0x7] =	stream.linear.gather [hbm4b:s29+s4], $0x28, $0x38;
	[tilespmem:$0x1B380] =	vst v63  }
0x4f: {  	_ =	swait.ge [sflag:s16], $0x28  }
0x50: {  	[sflag:s16] =	ssyncset.done $0x0  }
0x51: {  	[sflag:s16] =	ssyncadd.s32 $0xFFFFFFD8  }
0x52: {  	_ =	swait.ge [sflag:s16], $0x28  }
0x53: {  	[sflag:s16] =	ssyncset.done $0x0  }
0x54: {  	s11 =	rddreg [dreg:$0x10];
	[sflag:s16] =	ssyncadd.s32 $0xFFFFFFD8  }
0x55: {  	[tilespmem:s17], [sflag:$0x8] =	stream.linear.gather [hbm4b:s11+s4], $0x28, $0x38;
	[tilespmem:$0x1B380] =	vst v63  }
0x56: {  	s12 =	rddreg [dreg:$0x11]  }
0x57: {  	[tilespmem:s18], [sflag:$0x8] =	stream.linear.gather [hbm4b:s12+s4], $0x28, $0x38;
	[tilespmem:$0x1B380] =	vst v63  }
0x58: {  	s14 =	simm.s32 $0x13B80  }
0x59: {  	[tilespmem:s14], [sflag:$0x1] =	stream.indirect.gather [hbm4b:s25+s19], $0x80, s2, s19, $0xb8;
	[tilespmem:$0x1B380] =	vst v63  }
0x5a: {  	s29 =	simm.s32 $0x16380  }
0x5b: {  	[tilespmem:s29], [sflag:$0x3] =	stream.indirect.gather [hbm4b:s5+s19], $0x80, s30, s19, $0xb8;
	[tilespmem:$0x1B380] =	vst v63  }
0x5c: {  	s2 =	simm.s32 $0x0;
	s30 =	rddreg [dreg:$0x12]  }
0x5d: {  	[tilespmem:s21], [sflag:$0x5] =	stream.linear.gather [hbm4b:s30+s4], $0x1400, $0x38;
	[tilespmem:$0x1B380] =	vst v63  }
.LBB2_2:
0x5e: {  	_ =	swait.ge [sflag:s23], $0x1400  }
0x5f: {  	[sflag:s23] =	ssyncset.done $0x0  }
0x60: {  	[sflag:s23] =	ssyncadd.s32 $0xFFFFEC00  }
0x61: {  	_ =	swait.ge [sflag:s26], $0x1400  }
0x62: {  	[sflag:s26] =	ssyncset.done $0x0  }
0x63: {  	[sflag:s26] =	ssyncadd.s32 $0xFFFFEC00  }
0x64: {  	_ =	swait.ge [sflag:s28], $0x1400  }
0x65: {  	p1 =	seq.s32 s2, $0x0;
	[sflag:s28] =	ssyncset.done $0x0  }
0x66: {  	s11 =	simm.s32 @!p1 $0xA;
	[sflag:s28] =	ssyncadd.s32 $0xFFFFEC00  }
0x67: {  	_ =	swait.ge @!p1 [sflag:s11], $0x1400  }
0x68: {  	[sflag:s11] =	ssyncset.done @!p1 $0x0  }
0x69: {  	[sflag:s11] =	ssyncadd.s32 @!p1 $0xFFFFEC00  }
0x6a: {  	_ =	swait.ge [sflag:s9], $0x28  }
0x6b: {  	[sflag:s9] =	ssyncset.done $0x0  }
0x6c: {  	[sflag:s9] =	ssyncadd.s32 $0xFFFFFFD8  }
0x6d: {  	_ =	swait.ge [sflag:s9], $0x28  }
0x6e: {  	[sflag:s9] =	ssyncset.done $0x0  }
0x6f: {  	s0 =	simm.s32 $0x14F80;
	s11 =	smul.u32 $0x50, s2;
	[sflag:s9] =	ssyncadd.s32 $0xFFFFFFD8  }
0x70: {  	[tilespmem:s0], [sflag:$0x2] =	stream.indirect.gather [hbm4b:s25+s19], $0x80, s17, s19, $0xb8;
	[tilespmem:$0x1B380] =	vst v63  }
0x71: {  	s30 =	smov.u32 s25;
	s25 =	rddreg [dreg:$0x9]  }
0x72: {  	s14 =	simm.s32 $0x17780;
	s12 =	sadd.s32 s11, s25  }
0x73: {  	[tilespmem:s14], [sflag:$0x4] =	stream.indirect.gather [hbm4b:s5+s19], $0x80, s18, s19, $0xb8;
	[tilespmem:$0x1B380] =	vst v63  }
0x74: {  	s12 =	sshll.u32 s12, $0x4  }
0x75: {  	s29 =	simm.s32 $0x0;
	s12 =	sadd.s32 s6, s12  }
0x76: {  	[tilespmem:s13], [sflag:$0x6] =	stream.linear.gather [hbm4b:s12+s29], $0x1400, $0x38;
	[tilespmem:$0x1B380] =	vst v63  }
0x77: {  	s12 =	simm.s32 $0x0  }
0x78: {  	v12 =	vld [tilespmem:s12+$0x13B80]  }
0x79: {  	v17 =	vld [tilespmem:s12+$0x16380]  }
0x7a: {  	v19 =	vld [tilespmem:s12+$0x13B90]  }
0x7b: {  	v20 =	vld [tilespmem:s12+$0x16390]  }
0x7c: {  	v5 =	vld [tilespmem:s12+$0x13BA0]  }
0x7d: {  	v9 =	vld [tilespmem:s12+$0x163A0]  }
0x7e: {  	v7 =	vld [tilespmem:s12+$0x13BB0]  }
0x7f: {  	v11 =	vld [tilespmem:s12+$0x163B0]  }
0x80: {  	v8 =	vld [tilespmem:s12+$0x13BC0]  }
0x81: {  	v10 =	vld [tilespmem:s12+$0x163C0]  }
0x82: {  	v4 =	vld [tilespmem:s12+$0x13BD0]  }
0x83: {  	v6 =	vld [tilespmem:s12+$0x163D0]  }
0x84: {  	v2 =	vld [tilespmem:s12+$0x13BE0]  }
0x85: {  	v3 =	vld [tilespmem:s12+$0x163E0]  }
0x86: {  	v0 =	vld [tilespmem:s12+$0x13BF0]  }
0x87: {  	v1 =	vld [tilespmem:s12+$0x163F0]  }
0x88: {  	v16 =	vld [tilespmem:s12+$0x18B80]  }
0x89: {  	v15 =	vld [tilespmem:s12+$0x18B90]  }
0x8a: {  	v14 =	vld [tilespmem:s12+$0x18BA0]  }
0x8b: {  	v13 =	vld [tilespmem:s12+$0x18BB0];
	v18 =	vadd.f32 v17, v12  }
0x8c: {  	s29 =	simm.s32 $0x200;
	v17 =	vadd.f32 v20, v19;
	v12 =	vld [tilespmem:s12+$0x18BC0]  }
.LBB2_3:
0x8d: {  	p1 =	sne.s32 s29, $0x4E00;
	v16 =	vadd.f32 v16, v18;
	v5 =	vadd.f32 v9, v5;
	v9 =	vld [tilespmem:s12+$0x18BD0]  }
0x8e: {  	v7 =	vadd.f32 v11, v7;
	v15 =	vadd.f32 v15, v17;
	v11 =	vld [tilespmem:s12+$0x18BE0]  }
0x8f: {  	s0 =	sshra.s32 s29, $0x2;
	v8 =	vadd.f32 v10, v8;
	v16 =	vmax.f32 v16, $0.0e+00;
	v5 =	vadd.f32 v14, v5;
	v10 =	vld [tilespmem:s12+$0x18BF0]  }
0x90: {  	v4 =	vadd.f32 v6, v4;
	v17 =	vld [tilespmem:s0+$0x13B80];
	[tilespmem:s12+$0x18B80] =	vst v16;
	v14 =	vmax.f32 v15, $0.0e+00;
	v7 =	vadd.f32 v13, v7  }
0x91: {  	v2 =	vadd.f32 v3, v2;
	v13 =	vld [tilespmem:s0+$0x16380];
	[tilespmem:s12+$0x18B90] =	vst v14;
	v5 =	vmax.f32 v5, $0.0e+00;
	v6 =	vadd.f32 v12, v8  }
0x92: {  	v0 =	vadd.f32 v1, v0;
	v12 =	vld [tilespmem:s0+$0x13B90];
	[tilespmem:s12+$0x18BA0] =	vst v5;
	v3 =	vmax.f32 v7, $0.0e+00;
	v4 =	vadd.f32 v9, v4  }
0x93: {  	v19 =	vld [tilespmem:s0+$0x16390];
	[tilespmem:s12+$0x18BB0] =	vst v3;
	v1 =	vmax.f32 v6, $0.0e+00;
	v2 =	vadd.f32 v11, v2  }
0x94: {  	v5 =	vld [tilespmem:s0+$0x13BA0];
	[tilespmem:s12+$0x18BC0] =	vst v1;
	v1 =	vmax.f32 v4, $0.0e+00;
	v0 =	vadd.f32 v10, v0  }
0x95: {  	v9 =	vld [tilespmem:s0+$0x163A0];
	[tilespmem:s12+$0x18BD0] =	vst v1;
	v1 =	vmax.f32 v2, $0.0e+00  }
0x96: {  	v7 =	vld [tilespmem:s0+$0x13BB0];
	[tilespmem:s12+$0x18BE0] =	vst v1;
	v0 =	vmax.f32 v0, $0.0e+00  }
0x97: {  	v11 =	vld [tilespmem:s0+$0x163B0];
	[tilespmem:s12+$0x18BF0] =	vst v0;
	s12 =	smov.u32 s0  }
0x98: {  	v8 =	vld [tilespmem:s12+$0x13BC0]  }
0x99: {  	v10 =	vld [tilespmem:s12+$0x163C0]  }
0x9a: {  	v4 =	vld [tilespmem:s12+$0x13BD0]  }
0x9b: {  	v6 =	vld [tilespmem:s12+$0x163D0]  }
0x9c: {  	v2 =	vld [tilespmem:s12+$0x13BE0]  }
0x9d: {  	v3 =	vld [tilespmem:s12+$0x163E0]  }
0x9e: {  	v0 =	vld [tilespmem:s12+$0x13BF0]  }
0x9f: {  	v1 =	vld [tilespmem:s12+$0x163F0]  }
.Ltmp2:
0xa0: {  	v16 =	vld [tilespmem:s12+$0x18B80];
	(pc) =	sbr.rel @p1 .LBB2_3-.Ltmp2, $4  }
0xa1: {  	v15 =	vld [tilespmem:s12+$0x18B90]  }
0xa2: {  	v14 =	vld [tilespmem:s12+$0x18BA0]  }
0xa3: {  	v18 =	vadd.f32 v13, v17;
	v13 =	vld [tilespmem:s12+$0x18BB0]  }
0xa4: {  	s29 =	sadd.s32 $0x200, s29;
	v17 =	vadd.f32 v19, v12;
	v12 =	vld [tilespmem:s12+$0x18BC0]  }
0xa5: {  	v16 =	vadd.f32 v16, v18  }
0xa6: {  	v5 =	vadd.f32 v9, v5;
	v9 =	vld [tilespmem:s12+$0x18BD0];
	v7 =	vadd.f32 v11, v7  }
0xa7: {  	v8 =	vadd.f32 v10, v8;
	v10 =	vld [tilespmem:s12+$0x18BF0];
	v15 =	vadd.f32 v15, v17  }
0xa8: {  	v11 =	vld [tilespmem:s12+$0x18BE0];
	v16 =	vmax.f32 v16, $0.0e+00;
	v5 =	vadd.f32 v14, v5  }
0xa9: {  	v4 =	vadd.f32 v6, v4;
	[tilespmem:s12+$0x18B80] =	vst v16;
	v14 =	vmax.f32 v15, $0.0e+00;
	v7 =	vadd.f32 v13, v7  }
0xaa: {  	v0 =	vadd.f32 v1, v0;
	[tilespmem:s12+$0x18B90] =	vst v14;
	v5 =	vmax.f32 v5, $0.0e+00;
	v6 =	vadd.f32 v12, v8  }
0xab: {  	v2 =	vadd.f32 v3, v2;
	[tilespmem:s12+$0x18BA0] =	vst v5;
	v3 =	vmax.f32 v7, $0.0e+00;
	v4 =	vadd.f32 v9, v4  }
0xac: {  	v0 =	vadd.f32 v10, v0;
	[tilespmem:s12+$0x18BB0] =	vst v3;
	v1 =	vmax.f32 v6, $0.0e+00  }
0xad: {  	v2 =	vadd.f32 v11, v2;
	[tilespmem:s12+$0x18BC0] =	vst v1;
	v1 =	vmax.f32 v4, $0.0e+00  }
0xae: {  	v0 =	vmax.f32 v0, $0.0e+00;
	[tilespmem:s12+$0x18BD0] =	vst v1  }
0xaf: {  	v1 =	vmax.f32 v2, $0.0e+00;
	[tilespmem:s12+$0x18BF0] =	vst v0  }
0xb0: {  	[tilespmem:s12+$0x18BE0] =	vst v1  }
0xb1: {  	v0 =	vld [tilespmem:$0x13980]  }
0xb2: {  	v1 =	vld [tilespmem:$0x13990]  }
0xb3: {  	v2 =	vld [tilespmem:$0x13998];
	_ =	sdelay $0x2  }
0xb4: {  	p1 =	sne.s32 s2, $0x7C;
	[tilespmem:$0x13A80] =	vst v0  }
0xb5: {  	s0 =	sadd.s32 @p1 s24, s11;
	[tilespmem:$0x13A90] =	vst v1  }
0xb6: {  	s12 =	sshrl.u32 @p1 s0, $0x3;
	[tilespmem:$0x13A98] =	vst v2  }
0xb7: {  	[spmem:s3] =	stream.indirect.scatter.add.f32 [tilespmem:s21], [sflag:$0x9], $0x80, s20, s19, $0xb8;
	[tilespmem:$0x1B380] =	vst v63  }
0xb8: {  	s1 =	simm.s32 @p1 $0x0;
	s14 =	simm.s32 @p1 $0x13880;
	s29 =	sadd.s32 @p1 s7, s12  }
0xb9: {  	[tilespmem:s14], [sflag:$0x7] =	stream.linear.gather @p1 [hbm4b:s29+s1], $0x28, $0x38;
	[tilespmem:$0x1B380] =	vst v63  }
0xba: {  	s12 =	sadd.s32 @p1 s8, s12;
	s29 =	simm.s32 @p1 $0x13980  }
0xbb: {  	[tilespmem:s29], [sflag:$0x7] =	stream.linear.gather @p1 [hbm4b:s12+s1], $0x28, $0x38;
	[tilespmem:$0x1B380] =	vst v63  }
0xbc: {  	s12 =	simm.s32 @p1 $0x2  }
0xbd: {  	_ =	swait.ge @p1 [sflag:s12], $0x1400  }
0xbe: {  	[sflag:s12] =	ssyncset.done @p1 $0x0  }
0xbf: {  	[sflag:s12] =	ssyncadd.s32 @p1 $0xFFFFEC00;
	s12 =	simm.s32 @p1 $0x4  }
0xc0: {  	_ =	swait.ge @p1 [sflag:s12], $0x1400  }
0xc1: {  	[sflag:s12] =	ssyncset.done @p1 $0x0  }
0xc2: {  	[sflag:s12] =	ssyncadd.s32 @p1 $0xFFFFEC00;
	s12 =	simm.s32 @p1 $0x6  }
0xc3: {  	_ =	swait.ge @p1 [sflag:s12], $0x1400  }
0xc4: {  	[sflag:s12] =	ssyncset.done @p1 $0x0  }
0xc5: {  	[sflag:s12] =	ssyncadd.s32 @p1 $0xFFFFEC00;
	s12 =	simm.s32 @p1 $0x9  }
0xc6: {  	_ =	swait.ge @p1 [sflag:s12], $0x1400  }
0xc7: {  	[sflag:s12] =	ssyncset.done @p1 $0x0  }
0xc8: {  	[sflag:s12] =	ssyncadd.s32 @p1 $0xFFFFEC00;
	s12 =	simm.s32 @p1 $0x7  }
0xc9: {  	_ =	swait.ge @p1 [sflag:s12], $0x28  }
0xca: {  	[sflag:s12] =	ssyncset.done @p1 $0x0  }
0xcb: {  	[sflag:s12] =	ssyncadd.s32 @p1 $0xFFFFFFD8  }
0xcc: {  	_ =	swait.ge @p1 [sflag:s12], $0x28  }
0xcd: {  	[sflag:s12] =	ssyncset.done @p1 $0x0  }
0xce: {  	s25 =	simm.s32 @p1 $0x13B80;
	[sflag:s12] =	ssyncadd.s32 @p1 $0xFFFFFFD8;
	s12 =	simm.s32 @p1 $0x28  }
0xcf: {  	[tilespmem:s25], [sflag:$0x1] =	stream.indirect.gather @p1 [hbm4b:s30+s12], $0x80, s14, s12, $0xb8;
	[tilespmem:$0x1B380] =	vst v63  }
0xd0: {  	s0 =	sshll.u32 @p1 s0, $0x4;
	s14 =	simm.s32 @p1 $0x16380  }
0xd1: {  	[tilespmem:s14], [sflag:$0x3] =	stream.indirect.gather @p1 [hbm4b:s5+s12], $0x80, s29, s12, $0xb8;
	[tilespmem:$0x1B380] =	vst v63  }
0xd2: {  	s0 =	sadd.s32 @p1 s6, s0;
	s12 =	simm.s32 @p1 $0x18B80  }
0xd3: {  	[tilespmem:s12], [sflag:$0x5] =	stream.linear.gather @p1 [hbm4b:s0+s1], $0x1400, $0x38;
	[tilespmem:$0x1B380] =	vst v63  }
0xd4: {  	s0 =	simm.s32 @!p1 $0x2  }
0xd5: {  	_ =	swait.ge @!p1 [sflag:s0], $0x1400  }
0xd6: {  	[sflag:s0] =	ssyncset.done @!p1 $0x0  }
0xd7: {  	[sflag:s0] =	ssyncadd.s32 @!p1 $0xFFFFEC00;
	s0 =	simm.s32 @!p1 $0x4  }
0xd8: {  	_ =	swait.ge @!p1 [sflag:s0], $0x1400  }
0xd9: {  	[sflag:s0] =	ssyncset.done @!p1 $0x0  }
0xda: {  	[sflag:s0] =	ssyncadd.s32 @!p1 $0xFFFFEC00;
	s0 =	simm.s32 @!p1 $0x6  }
0xdb: {  	_ =	swait.ge @!p1 [sflag:s0], $0x1400  }
0xdc: {  	[sflag:s0] =	ssyncset.done @!p1 $0x0  }
0xdd: {  	s12 =	simm.s32 $0x0;
	[sflag:s0] =	ssyncadd.s32 @!p1 $0xFFFFEC00  }
0xde: {  	v12 =	vld [tilespmem:s12+$0x14F80]  }
0xdf: {  	v17 =	vld [tilespmem:s12+$0x17780]  }
0xe0: {  	v19 =	vld [tilespmem:s12+$0x14F90]  }
0xe1: {  	v20 =	vld [tilespmem:s12+$0x17790]  }
0xe2: {  	v5 =	vld [tilespmem:s12+$0x14FA0]  }
0xe3: {  	v9 =	vld [tilespmem:s12+$0x177A0]  }
0xe4: {  	v7 =	vld [tilespmem:s12+$0x14FB0]  }
0xe5: {  	v11 =	vld [tilespmem:s12+$0x177B0]  }
0xe6: {  	v8 =	vld [tilespmem:s12+$0x14FC0]  }
0xe7: {  	v10 =	vld [tilespmem:s12+$0x177C0]  }
0xe8: {  	v4 =	vld [tilespmem:s12+$0x14FD0]  }
0xe9: {  	v6 =	vld [tilespmem:s12+$0x177D0]  }
0xea: {  	v2 =	vld [tilespmem:s12+$0x14FE0]  }
0xeb: {  	v3 =	vld [tilespmem:s12+$0x177E0]  }
0xec: {  	v0 =	vld [tilespmem:s12+$0x14FF0]  }
0xed: {  	v1 =	vld [tilespmem:s12+$0x177F0]  }
0xee: {  	v16 =	vld [tilespmem:s12+$0x19F80]  }
0xef: {  	v15 =	vld [tilespmem:s12+$0x19F90]  }
0xf0: {  	v14 =	vld [tilespmem:s12+$0x19FA0]  }
0xf1: {  	v13 =	vld [tilespmem:s12+$0x19FB0];
	v18 =	vadd.f32 v17, v12  }
0xf2: {  	s25 =	smov.u32 s30;
	s29 =	simm.s32 $0x200;
	v17 =	vadd.f32 v20, v19;
	v12 =	vld [tilespmem:s12+$0x19FC0]  }
.LBB2_5:
0xf3: {  	p1 =	sne.s32 s29, $0x4E00;
	v16 =	vadd.f32 v16, v18;
	v5 =	vadd.f32 v9, v5;
	v9 =	vld [tilespmem:s12+$0x19FD0]  }
0xf4: {  	v7 =	vadd.f32 v11, v7;
	v15 =	vadd.f32 v15, v17;
	v11 =	vld [tilespmem:s12+$0x19FE0]  }
0xf5: {  	s0 =	sshra.s32 s29, $0x2;
	v8 =	vadd.f32 v10, v8;
	v16 =	vmax.f32 v16, $0.0e+00;
	v5 =	vadd.f32 v14, v5;
	v10 =	vld [tilespmem:s12+$0x19FF0]  }
0xf6: {  	v4 =	vadd.f32 v6, v4;
	v17 =	vld [tilespmem:s0+$0x14F80];
	[tilespmem:s12+$0x19F80] =	vst v16;
	v14 =	vmax.f32 v15, $0.0e+00;
	v7 =	vadd.f32 v13, v7  }
0xf7: {  	v2 =	vadd.f32 v3, v2;
	v13 =	vld [tilespmem:s0+$0x17780];
	[tilespmem:s12+$0x19F90] =	vst v14;
	v5 =	vmax.f32 v5, $0.0e+00;
	v6 =	vadd.f32 v12, v8  }
0xf8: {  	v0 =	vadd.f32 v1, v0;
	v12 =	vld [tilespmem:s0+$0x14F90];
	[tilespmem:s12+$0x19FA0] =	vst v5;
	v3 =	vmax.f32 v7, $0.0e+00;
	v4 =	vadd.f32 v9, v4  }
0xf9: {  	v19 =	vld [tilespmem:s0+$0x17790];
	[tilespmem:s12+$0x19FB0] =	vst v3;
	v1 =	vmax.f32 v6, $0.0e+00;
	v2 =	vadd.f32 v11, v2  }
0xfa: {  	v5 =	vld [tilespmem:s0+$0x14FA0];
	[tilespmem:s12+$0x19FC0] =	vst v1;
	v1 =	vmax.f32 v4, $0.0e+00;
	v0 =	vadd.f32 v10, v0  }
0xfb: {  	v9 =	vld [tilespmem:s0+$0x177A0];
	[tilespmem:s12+$0x19FD0] =	vst v1;
	v1 =	vmax.f32 v2, $0.0e+00  }
0xfc: {  	v7 =	vld [tilespmem:s0+$0x14FB0];
	[tilespmem:s12+$0x19FE0] =	vst v1;
	v0 =	vmax.f32 v0, $0.0e+00  }
0xfd: {  	v11 =	vld [tilespmem:s0+$0x177B0];
	[tilespmem:s12+$0x19FF0] =	vst v0;
	s12 =	smov.u32 s0  }
0xfe: {  	v8 =	vld [tilespmem:s12+$0x14FC0]  }
0xff: {  	v10 =	vld [tilespmem:s12+$0x177C0]  }
0x100: {  	v4 =	vld [tilespmem:s12+$0x14FD0]  }
0x101: {  	v6 =	vld [tilespmem:s12+$0x177D0]  }
0x102: {  	v2 =	vld [tilespmem:s12+$0x14FE0]  }
0x103: {  	v3 =	vld [tilespmem:s12+$0x177E0]  }
0x104: {  	v0 =	vld [tilespmem:s12+$0x14FF0]  }
0x105: {  	v1 =	vld [tilespmem:s12+$0x177F0]  }
.Ltmp3:
0x106: {  	v16 =	vld [tilespmem:s12+$0x19F80];
	(pc) =	sbr.rel @p1 .LBB2_5-.Ltmp3, $4  }
0x107: {  	v15 =	vld [tilespmem:s12+$0x19F90]  }
0x108: {  	v14 =	vld [tilespmem:s12+$0x19FA0]  }
0x109: {  	v18 =	vadd.f32 v13, v17;
	v13 =	vld [tilespmem:s12+$0x19FB0]  }
0x10a: {  	s29 =	sadd.s32 $0x200, s29;
	v17 =	vadd.f32 v19, v12;
	v12 =	vld [tilespmem:s12+$0x19FC0]  }
0x10b: {  	v16 =	vadd.f32 v16, v18;
	v5 =	vadd.f32 v9, v5;
	v54 =	vld [tilespmem:s12+$0x19FD0]  }
0x10c: {  	v7 =	vadd.f32 v11, v7;
	v55 =	vld [tilespmem:s12+$0x19FE0];
	v15 =	vadd.f32 v15, v17  }
0x10d: {  	v8 =	vadd.f32 v10, v8;
	v56 =	vld [tilespmem:s12+$0x19FF0];
	v16 =	vmax.f32 v16, $0.0e+00;
	v5 =	vadd.f32 v14, v5  }
0x10e: {  	v4 =	vadd.f32 v6, v4;
	[tilespmem:s12+$0x19F80] =	vst v16;
	v57 =	vmax.f32 v15, $0.0e+00;
	v7 =	vadd.f32 v13, v7  }
0x10f: {  	v2 =	vadd.f32 v3, v2;
	[tilespmem:s12+$0x19F90] =	vst v57;
	v5 =	vmax.f32 v5, $0.0e+00;
	v58 =	vadd.f32 v12, v8  }
0x110: {  	v0 =	vadd.f32 v1, v0;
	[tilespmem:s12+$0x19FA0] =	vst v5;
	v59 =	vmax.f32 v7, $0.0e+00;
	v4 =	vadd.f32 v54, v4  }
0x111: {  	v2 =	vadd.f32 v55, v2;
	[tilespmem:s12+$0x19FB0] =	vst v59;
	v60 =	vmax.f32 v58, $0.0e+00  }
0x112: {  	v0 =	vadd.f32 v56, v0;
	[tilespmem:s12+$0x19FC0] =	vst v60;
	v61 =	vmax.f32 v4, $0.0e+00  }
0x113: {  	v62 =	vmax.f32 v2, $0.0e+00;
	[tilespmem:s12+$0x19FD0] =	vst v61  }
0x114: {  	v0 =	vmax.f32 v0, $0.0e+00;
	[tilespmem:s12+$0x19FE0] =	vst v62  }
0x115: {  	[tilespmem:s12+$0x19FF0] =	vst v0  }
0x116: {  	v0 =	vld [tilespmem:$0x13A00]  }
0x117: {  	v1 =	vld [tilespmem:$0x13A10]  }
0x118: {  	v63 =	vld [tilespmem:$0x13A18]  }
0x119: {  	p1 =	seq.s32 s2, $0x7C  }
.Ltmp4:
0x11a: {  	_ = 	snop;
	(pc) =	sbr.rel @p1 .LBB2_8-.Ltmp4, $4  }
0x11b: {  	[tilespmem:$0x13B00] =	vst v0  }
0x11c: {  	[tilespmem:$0x13B10] =	vst v1  }
0x11d: {  	[tilespmem:$0x13B18] =	vst v63  }
0x11e: {  	[spmem:s3] =	stream.indirect.scatter.add.f32 [tilespmem:s13], [sflag:$0xA], $0x80, s22, s19, $0xb8;
	[tilespmem:$0x1B380] =	vst v63  }
0x11f: {  	s0 =	rddreg [dreg:$0x13]  }
0x120: {  	s0 =	sadd.s32 s11, s0  }
.Ltmp5:
0x121: {  	s0 =	sshrl.u32 s0, $0x3;
	(pc) =	sbr.rel .LBB2_2-.Ltmp5, $4  }
0x122: {  	s1 =	sadd.s32 s7, s0  }
0x123: {  	[tilespmem:s17], [sflag:$0x8] =	stream.linear.gather [hbm4b:s1+s4], $0x28, $0x38;
	[tilespmem:$0x1B380] =	vst v63  }
0x124: {  	s2 =	sadd.s32 $0x1, s2;
	s0 =	sadd.s32 s8, s0  }
0x125: {  	[tilespmem:s18], [sflag:$0x8] =	stream.linear.gather [hbm4b:s0+s4], $0x28, $0x38;
	[tilespmem:$0x1B380] =	vst v63  }
.LBB2_8:
0x126: {  	_ =	swait.ge [sflag:s15], $0x1400  }
0x127: {  	[sflag:s15] =	ssyncset.done $0x0  }
0x128: {  	[sflag:s15] =	ssyncadd.s32 $0xFFFFEC00  }
0x129: {  	_ =	swait.ge [sflag:s10], $0x1400  }
0x12a: {  	[sflag:s10] =	ssyncset.done $0x0  }
0x12b: {  	[sflag:s10] =	ssyncadd.s32 $0xFFFFEC00  }
0x12c: {  	[bflag:$0x0] =	sbarrier.arrive $0xFFFF  }
0x12d: {  	s12 =	rddreg [dreg:$0x7]  }
0x12e: {  	s0 =	rddreg [dreg:$0xa]  }
0x12f: {  	s11 =	simm.s32 $0xB;
	s1 =	rddreg [dreg:$0x1a]  }
0x130: {  	[hbm:s0], [sflag:s12] =	dma.local [spmem:s1], $0x2700  }
0x131: {  	_ =	swait.ge [sflag:s11], $0x2700  }
0x132: {  	[sflag:s11] =	ssyncset.done $0x0  }
0x133: {  	[sflag:s11] =	ssyncadd.s32 $0xFFFFD900  }
0x134: {  	[bflag:$0x0] =	sbarrier.arrive @p0 $0xFFFF  }
0x135: {  	s29 =	rddreg [dreg:$0x5]  }
0x136: {  	s2 =	rddreg [dreg:$0x6];
	s0 =	sshrl.u32 @p0 s29, $0x3  }
0x137: {  	[spmem:s0], [sflag:s12] =	dma.local @p0 [hbm:s2], $0x2700  }
0x138: {  	s0 =	simm.s32 @p0 $0xB  }
0x139: {  	_ =	swait.ge @p0 [sflag:s0], $0x2700  }
0x13a: {  	[sflag:s0] =	ssyncset.done @p0 $0x0;
	s14 =	rddreg [dreg:$0x1b]  }
0x13b: {  	[sflag:s0] =	ssyncadd.s32 @p0 $0xFFFFD900;
	s0 =	rddreg [dreg:$0xb]  }
0x13c: {  	[hbm:s0], [sflag:s12] =	dma.local @!p0 [spmem:s14], $0x100  }
0x13d: {  	s0 =	simm.s32 @!p0 $0xB  }
0x13e: {  	_ =	swait.ge @!p0 [sflag:s0], $0x100  }
0x13f: {  	[sflag:s0] =	ssyncset.done @!p0 $0x0  }
0x140: {  	[sflag:s0] =	ssyncadd.s32 @!p0 $0xFFFFFF00  }
0x141: {  	s1 =	sshrl.u32 @!p0 s29, $0x3;
	[bflag:$0x0] =	sbarrier.arrive @!p0 $0xFFFF  }
0x142: {  	[spmem:s1], [sflag:s12] =	dma.local @!p0 [hbm:s2], $0x2700  }
0x143: {  	_ =	swait.ge @!p0 [sflag:s0], $0x2700  }
0x144: {  	[sflag:s0] =	ssyncset.done @!p0 $0x0  }
0x145: {  	s1 =	rddreg [dreg:$0x8];
	[sflag:s0] =	ssyncadd.s32 @!p0 $0xFFFFD900  }
0x146: {  	[spmem:s14], [sflag:s12] =	dma.local @!p0 [hbm:s1], $0x100  }
0x147: {  	_ =	swait.ge @!p0 [sflag:s0], $0x100  }
0x148: {  	[sflag:s0] =	ssyncset.done @!p0 $0x0  }
0x149: {  	s2 =	simm.s32 $0x0;
	s1 =	rddreg [dreg:$0x4];
	[sflag:s0] =	ssyncadd.s32 @!p0 $0xFFFFFF00  }
0x14a: {  	[tilespmem:s21], [sflag:$0xB] =	stream.linear.gather [hbm4b:s1+s2], $0x1400, $0x38;
	[tilespmem:$0x1B380] =	vst v63  }
0x14b: {  	_ =	swait.ge [sflag:s11], $0x1400  }
0x14c: {  	[sflag:s11] =	ssyncset.done $0x0  }
0x14d: {  	[sflag:s11] =	ssyncadd.s32 $0xFFFFEC00  }
0x14e: {  	[bflag:$0x0] =	sbarrier.arrive $0xFFFF  }
0x14f: {  	s30 =	simm.s32 $0x13980;
	s14 =	rddreg [dreg:$0xf]  }
0x150: {  	[tilespmem:s30], [sflag:$0x7] =	stream.linear.gather [hbm4b:s14+s2], $0x28, $0x38;
	[tilespmem:$0x1B380] =	vst v63  }
0x151: {  	_ =	swait.ge [sflag:s16], $0x28  }
0x152: {  	[sflag:s16] =	ssyncset.done $0x0  }
0x153: {  	s11 =	rddreg [dreg:$0x11];
	[sflag:s16] =	ssyncadd.s32 $0xFFFFFFD8  }
0x154: {  	[tilespmem:s18], [sflag:$0x8] =	stream.linear.gather [hbm4b:s11+s2], $0x28, $0x38;
	[tilespmem:$0x1B380] =	vst v63  }
0x155: {  	v0 =	vld [tilespmem:$0x13980]  }
0x156: {  	v1 =	vld [tilespmem:$0x13990]  }
0x157: {  	v2 =	vld [tilespmem:$0x13998];
	_ =	sdelay $0x2  }
0x158: {  	[tilespmem:$0x13A80] =	vst v0  }
0x159: {  	[tilespmem:$0x13A90] =	vst v1  }
0x15a: {  	[tilespmem:$0x13A98] =	vst v2  }
0x15b: {  	[spmem:s3] =	stream.indirect.scatter.add.f32 [tilespmem:s21], [sflag:$0x9], $0x80, s20, s19, $0xb8;
	[tilespmem:$0x1B380] =	vst v63  }
0x15c: {  	s14 =	rddreg [dreg:$0x15]  }
0x15d: {  	[tilespmem:s30], [sflag:$0x7] =	stream.linear.gather [hbm4b:s14+s2], $0x28, $0x38;
	[tilespmem:$0x1B380] =	vst v63  }
0x15e: {  	_ =	swait.ge [sflag:s9], $0x28  }
0x15f: {  	[sflag:s9] =	ssyncset.done $0x0  }
0x160: {  	[sflag:s9] =	ssyncadd.s32 $0xFFFFFFD8  }
0x161: {  	v61 =	vld [tilespmem:$0x13A00]  }
0x162: {  	v62 =	vld [tilespmem:$0x13A10]  }
0x163: {  	v63 =	vld [tilespmem:$0x13A18];
	_ =	sdelay $0x2  }
0x164: {  	[tilespmem:$0x13B00] =	vst v61  }
0x165: {  	[tilespmem:$0x13B10] =	vst v62  }
0x166: {  	[tilespmem:$0x13B18] =	vst v63  }
0x167: {  	[spmem:s3] =	stream.indirect.scatter.add.f32 [tilespmem:s21], [sflag:$0xA], $0x80, s22, s19, $0xb8;
	[tilespmem:$0x1B380] =	vst v63  }
0x168: {  	s30 =	rddreg [dreg:$0x16]  }
0x169: {  	[tilespmem:s18], [sflag:$0x8] =	stream.linear.gather [hbm4b:s30+s2], $0x28, $0x38;
	[tilespmem:$0x1B380] =	vst v63  }
0x16a: {  	_ =	swait.ge [sflag:s16], $0x28  }
0x16b: {  	[sflag:s16] =	ssyncset.done $0x0  }
0x16c: {  	[sflag:s16] =	ssyncadd.s32 $0xFFFFFFD8  }
.LBB2_9:
0x16d: {  	_ =	swait.ge [sflag:s15], $0x1400  }
0x16e: {  	[sflag:s15] =	ssyncset.done $0x0  }
0x16f: {  	[sflag:s15] =	ssyncadd.s32 $0xFFFFEC00  }
0x170: {  	v0 =	vld [tilespmem:$0x13980]  }
0x171: {  	v1 =	vld [tilespmem:$0x13990]  }
0x172: {  	v2 =	vld [tilespmem:$0x13998];
	_ =	sdelay $0x2  }
0x173: {  	[tilespmem:$0x13A80] =	vst v0  }
0x174: {  	[tilespmem:$0x13A90] =	vst v1  }
0x175: {  	p1 =	seq.s32 s2, $0x4CE;
	[tilespmem:$0x13A98] =	vst v2  }
0x176: {  	[spmem:s3] =	stream.indirect.scatter.add.f32 [tilespmem:s21], [sflag:$0x9], $0x80, s20, s19, $0xb8;
	[tilespmem:$0x1B380] =	vst v63  }
0x177: {  	s0 =	sadd.s32 @!p1 s2, s31;
	s1 =	simm.s32 @!p1 $0x0;
	s11 =	simm.s32 @!p1 $0x13980  }
0x178: {  	[tilespmem:s11], [sflag:$0x7] =	stream.linear.gather @!p1 [hbm4b:s0+s1], $0x28, $0x38;
	[tilespmem:$0x1B380] =	vst v63  }
0x179: {  	_ =	swait.ge [sflag:s9], $0x28  }
0x17a: {  	[sflag:s9] =	ssyncset.done $0x0  }
0x17b: {  	[sflag:s9] =	ssyncadd.s32 $0xFFFFFFD8  }
0x17c: {  	_ =	swait.ge [sflag:s10], $0x1400  }
0x17d: {  	[sflag:s10] =	ssyncset.done $0x0  }
0x17e: {  	[sflag:s10] =	ssyncadd.s32 $0xFFFFEC00  }
0x17f: {  	v61 =	vld [tilespmem:$0x13A00]  }
0x180: {  	v62 =	vld [tilespmem:$0x13A10]  }
0x181: {  	v63 =	vld [tilespmem:$0x13A18];
	_ =	sdelay $0x1  }
.Ltmp6:
0x182: {  	_ = 	snop;
	(pc) =	sbr.rel @p1 .LBB2_11-.Ltmp6, $4  }
0x183: {  	[tilespmem:$0x13B00] =	vst v61  }
0x184: {  	[tilespmem:$0x13B10] =	vst v62  }
0x185: {  	[tilespmem:$0x13B18] =	vst v63  }
0x186: {  	[spmem:s3] =	stream.indirect.scatter.add.f32 [tilespmem:s21], [sflag:$0xA], $0x80, s22, s19, $0xb8;
	[tilespmem:$0x1B380] =	vst v63  }
0x187: {  	s0 =	rddreg [dreg:$0x17]  }
.Ltmp7:
0x188: {  	s0 =	sadd.s32 s2, s0;
	(pc) =	sbr.rel .LBB2_9-.Ltmp7, $4  }
0x189: {  	[tilespmem:s18], [sflag:$0x8] =	stream.linear.gather [hbm4b:s0+s4], $0x28, $0x38;
	[tilespmem:$0x1B380] =	vst v63  }
0x18a: {  	_ =	swait.ge [sflag:s16], $0x28  }
0x18b: {  	[sflag:s16] =	ssyncset.done $0x0  }
0x18c: {  	s2 =	sadd.s32 $0xA, s2;
	[sflag:s16] =	ssyncadd.s32 $0xFFFFFFD8  }
.LBB2_12:
0x18d: {  	_ =	sfence.sel $0x180000  }
0x18e: {  	[bflag:$0x0] =	sbarrier.arrive $0xFFFF  }
0x18f: {  	_ =	strace $0x90000047  }
0x190: {  	s0 =	stileid.u32;
	[bflag:$0x2] =	sbarrier.arrive $0xFFFF  }
0x191: {  	p0 =	sne.s32 s0, $0x0;
	s0 =	rddreg [dreg:$0x3]  }
0x192: {  	s0 =	sadd.s32 @!p0 $0x100000, s0  }
0x193: {  	[sflag:s0] =	ssyncadd.tile.s32 @!p0 $0x1;
	_ =	shalt  }
.Lfunc_end2:
_tile_overlayer_lowered:
.L_overlay_start_2:
0x194: {  	(tag) =	ssettag $0x2  }
0x195: {  	s0 =	rddreg [dreg:$0x0];
	s2 =	stileid.u32  }
0x196: {  	s1 =	rddreg [dreg:$0x1];
	p0 =	sne.s32 s2, $0x0  }
0x197: {  	s3 =	rddreg [dreg:$0x2];
	[bflag:$0x3] =	sbarrier.arrive $0xFFFF;
	s2 =	simm.s32 @!p0 $0x1C0B  }
0x198: {  	[timem:s3], [sflag:s2] =	dma.local @!p0 [hbm:s0], s1  }
0x199: {  	s0 =	simm.s32 @!p0 $0xB  }
0x19a: {  	_ =	swait.ge @!p0 [sflag:s0], s1  }
0x19b: {  	s1 =	ssub.s32 @!p0 $0x0, s1;
	[sflag:s0] =	ssyncset.done @!p0 $0x0  }
0x19c: {  	[sflag:s0] =	ssyncadd.s32 @!p0 s1  }
0x19d: {  	[bflag:$0x3] =	sbarrier.arrive $0xFFFF  }
0x19e: {  	_ =	shalt  }

</sc_bundles>
